<compile_context>
chip_gen: v7x
topology: tpu7x:2x2x1
jax: 0.10.2.dev20260603
libtpu: 0.0.44.dev20260713+nightly
codegen_flags: <defaults>
</compile_context>

<pallas_src>
import jax
import jax.numpy as jnp
from jax.experimental import pallas as pl
from jax.experimental.pallas import tpu as pltpu
from jax.experimental.pallas import tpu_sc as plsc

_BLKR = 128


def kernel(x, pos_table):
    B, S, D = x.shape
    xt = jnp.transpose(x, (1, 0, 2)).reshape(S * B, D)
    nblk = (S * B) // _BLKR
    per_s = B // _BLKR

    @pl.kernel(
        out_type=jax.ShapeDtypeStruct((S * B, D), x.dtype),
        mesh=plsc.VectorSubcoreMesh(core_axis_name="c", subcore_axis_name="s"),
    )
    def sc_kernel(x_hbm, pos_hbm, o_hbm):
        def body(x_vmem, pos_vmem, o_vmem):
            @pl.loop(0, _BLKR)
            def _(r):
                for d in range(0, D, 16):
                    slc = (pl.ds(r, 1), pl.ds(d, 16))
                    o_vmem.at[*slc][...] = (
                        x_vmem.at[*slc][...]
                        + pos_vmem.at[pl.ds(0, 1), pl.ds(d, 16)][...]
                    )

        pltpu.emit_pipeline(
            body,
            grid=(nblk,),
            in_specs=[
                pl.BlockSpec((_BLKR, D), lambda i: (i, 0)),
                pl.BlockSpec((1, D), lambda i: (i // per_s, 0)),
            ],
            out_specs=[pl.BlockSpec((_BLKR, D), lambda i: (i, 0))],
            core_axis_name=("c", "s"),
            dimension_semantics=(pltpu.PARALLEL,),
        )(x_hbm, pos_hbm, o_hbm)

    out2 = sc_kernel(xt, pos_table)
    return jnp.transpose(out2.reshape(S, B, D), (1, 0, 2))

# --- scband reference (transcript-rebuilt; emitter-appended) ---
"""Pipeline reference for scband-position-embedding-23888608100691 (READ-ONLY COPY).

The authoritative reference and input builder live on the scoring server;
editing this copy changes nothing except your own understanding.
"""

import jax, jax.numpy as jnp
import numpy as np


def setup_inputs(seed: int = 0) -> dict:
    key = jax.random.key(seed)
    k1, k2 = jax.random.split(key)
    x = jax.random.normal(k1, (1024, 500, 128), dtype=jnp.float32)
    # learned position embedding table sized per init_kwargs: maxlen=512, embed_dim=128
    pos_table = jax.random.normal(k2, (512, 128), dtype=jnp.float32) * 0.02
    return {"x": x, "pos_table": pos_table}


def reference(x, pos_table):
    # Faithful translation of PositionEmbedding.call:
    # positions = tf.range(0, 500); pos = self.pos_emb(positions); return x + pos
    positions = jnp.arange(0, 500, dtype=jnp.int32)
    pos = jnp.take(pos_table, positions, axis=0)  # embedding lookup -> [500, 128]
    return x + pos  # broadcast over batch dim

if __name__ == "__main__":
    import jax
    _d = setup_inputs()
    print(jax.jit(kernel)(*tuple(_d.values())))

</pallas_src>

<mosaic_0001>
#map = affine_map<(d0, d1) -> (0, 0)>
module attributes {stable_mosaic.version = 14 : i64} {
  func.func @sc_kernel(%arg0: i32, %arg1: i32, %arg2: memref<512000x128xf32, #tpu.memory_space<hbm>>, %arg3: memref<512x128xf32, #tpu.memory_space<hbm>>, %arg4: memref<512000x128xf32, #tpu.memory_space<hbm>>) attributes {dimension_semantics = [#tpu.dimension_semantics<core_parallel>, #tpu.dimension_semantics<subcore_parallel>], iteration_bounds = array<i64: 2, 16>, scalar_prefetch = 0 : i64, scratch_operands = 0 : i64, tpu.core_type = #tpu.core_type<sc_vector_subcore>, window_params = [{transform_indices = #map}, {transform_indices = #map}, {transform_indices = #map}]} {
    %mul3A = arith.constant 1 : i32
    %mul3A_0 = arith.muli %arg1, %mul3A : i32
    %add3A = arith.constant 0 : i32
    %add3A_1 = arith.addi %add3A, %mul3A_0 : i32
    %mul3A_2 = arith.constant 16 : i32
    %mul3A_3 = arith.muli %arg0, %mul3A_2 : i32
    %add3A_4 = arith.addi %add3A_1, %mul3A_3 : i32
    %mul3A_5 = arith.constant 125 : i32
    %mul3A_6 = arith.muli %add3A_4, %mul3A_5 : i32
    "tpu.region"() ({
      %run_scoped3A = memref.alloca() : memref<2x128x128xf32, #tpu.memory_space<vmem>>
      %run_scoped3A_7 = tpu.sem_alloc : memref<2x!tpu.dma_semaphore, #tpu.memory_space<semaphore_mem>>
      %run_scoped3A_8 = memref.alloca() : memref<2x1x128xf32, #tpu.memory_space<vmem>>
      %run_scoped3A_9 = tpu.sem_alloc : memref<2x!tpu.dma_semaphore, #tpu.memory_space<semaphore_mem>>
      %run_scoped3A_10 = memref.alloca() : memref<2x128x128xf32, #tpu.memory_space<vmem>>
      %run_scoped3A_11 = tpu.sem_alloc : memref<2x!tpu.dma_semaphore, #tpu.memory_space<semaphore_mem>>
      %add3A_12 = arith.constant 0 : i32
      %add3A_13 = arith.addi %add3A_12, %mul3A_6 : i32
      %select_n3A = arith.constant true
      %select_n3A_14 = arith.constant 0 : i32
      %select_n3A_15 = arith.constant -1 : i32
      %select_n3A_16 = arith.select %select_n3A, %select_n3A_15, %select_n3A_14 : i32
      %eq3A = arith.constant -1 : i32
      %eq3A_17 = arith.cmpi eq, %select_n3A_16, %eq3A : i32
      %select_n3A_18 = arith.constant 124 : i32
      %select_n3A_19 = arith.select %eq3A_17, %select_n3A_18, %select_n3A_16 : i32
      %add3A_20 = arith.addi %select_n3A_19, %mul3A_6 : i32
      %select_n3A_21 = arith.constant true
      %select_n3A_22 = arith.constant 0 : i32
      %select_n3A_23 = arith.constant 1 : i32
      %select_n3A_24 = arith.select %select_n3A_21, %select_n3A_23, %select_n3A_22 : i32
      %eq3A_25 = arith.constant 125 : i32
      %eq3A_26 = arith.cmpi eq, %select_n3A_24, %eq3A_25 : i32
      %select_n3A_27 = arith.constant 0 : i32
      %select_n3A_28 = arith.select %eq3A_26, %select_n3A_27, %select_n3A_24 : i32
      %add3A_29 = arith.addi %select_n3A_28, %mul3A_6 : i32
      %add3A_30 = arith.constant 1 : i32
      %add3A_31 = arith.addi %select_n3A_28, %add3A_30 : i32
      %select_n3A_32 = arith.constant true
      %select_n3A_33 = arith.select %select_n3A_32, %add3A_31, %select_n3A_28 : i32
      %eq3A_34 = arith.constant 125 : i32
      %eq3A_35 = arith.cmpi eq, %select_n3A_33, %eq3A_34 : i32
      %select_n3A_36 = arith.constant 0 : i32
      %select_n3A_37 = arith.select %eq3A_35, %select_n3A_36, %select_n3A_33 : i32
      %add3A_38 = arith.addi %select_n3A_37, %mul3A_6 : i32
      "tpu.trace_start"() <{level = 10 : i32, message = "ep_initialize_0"}> : () -> ()
      %rem3A = arith.constant 0 : i32
      %rem3A_39 = arith.constant 2 : i32
      %rem3A_40 = arith.remui %rem3A, %rem3A_39 : i32
      %mul3A_41 = arith.constant 128 : i32
      %mul3A_42 = arith.muli %mul3A_41, %add3A_13 : i32
      %dma_start3A = arith.constant 0 : i32
      %dma_start3A_43 = arith.constant 0 : i32
      %dma_start3A_44 = tpu.memref_slice %run_scoped3A[%rem3A_40, %dma_start3A, %dma_start3A_43] : memref<2x128x128xf32, #tpu.memory_space<vmem>> -> memref<1x128x128xf32, #tpu.memory_space<vmem>>
      %dma_start3A_45 = tpu.memref_squeeze %dma_start3A_44 : memref<1x128x128xf32, #tpu.memory_space<vmem>> -> memref<128x128xf32, #tpu.memory_space<vmem>>
      %dma_start3A_46 = arith.constant 0 : i32
      %dma_start3A_47 = tpu.memref_slice %arg2[%mul3A_42, %dma_start3A_46] : memref<512000x128xf32, #tpu.memory_space<hbm>> -> memref<128x128xf32, #tpu.memory_space<hbm>>
      %dma_start3A_48 = tpu.memref_slice %run_scoped3A_7[%rem3A_40] : memref<2x!tpu.dma_semaphore, #tpu.memory_space<semaphore_mem>> -> memref<1x!tpu.dma_semaphore, #tpu.memory_space<semaphore_mem>>
      %dma_start3A_49 = tpu.memref_squeeze %dma_start3A_48 : memref<1x!tpu.dma_semaphore, #tpu.memory_space<semaphore_mem>> -> memref<!tpu.dma_semaphore, #tpu.memory_space<semaphore_mem>>
      %dma_start3A_50 = arith.constant 0 : i32
      %dma_start3A_51 = arith.constant 0 : i32
      %dma_start3A_52 = tpu.memref_slice %run_scoped3A[%rem3A_40, %dma_start3A_50, %dma_start3A_51] : memref<2x128x128xf32, #tpu.memory_space<vmem>> -> memref<1x128x128xf32, #tpu.memory_space<vmem>>
      %dma_start3A_53 = tpu.memref_squeeze %dma_start3A_52 : memref<1x128x128xf32, #tpu.memory_space<vmem>> -> memref<128x128xf32, #tpu.memory_space<vmem>>
      %dma_start3A_54 = arith.constant 0 : i32
      %dma_start3A_55 = tpu.memref_slice %arg2[%mul3A_42, %dma_start3A_54] : memref<512000x128xf32, #tpu.memory_space<hbm>> -> memref<128x128xf32, #tpu.memory_space<hbm>>
      tpu.enqueue_dma source(%dma_start3A_55 : memref<128x128xf32, #tpu.memory_space<hbm>>) target(%dma_start3A_53 : memref<128x128xf32, #tpu.memory_space<vmem>>) target_semaphore(%dma_start3A_49 : memref<!tpu.dma_semaphore, #tpu.memory_space<semaphore_mem>>)
      %add3A_56 = arith.constant 0 : i32
      %add3A_57 = arith.constant 1 : i32
      %add3A_58 = arith.addi %add3A_56, %add3A_57 : i32
      %select_n3A_59 = arith.constant true
      %select_n3A_60 = arith.constant 0 : i32
      %select_n3A_61 = arith.select %select_n3A_59, %add3A_58, %select_n3A_60 : i32
      %rem3A_62 = arith.constant 0 : i32
      %rem3A_63 = arith.constant 2 : i32
      %rem3A_64 = arith.remui %rem3A_62, %rem3A_63 : i32
      %jit3A = arith.constant 8 : i32
      %div3A = arith.divsi %add3A_13, %jit3A : i32
      %sign3A = arith.constant 0 : i32
      %sign3A_65 = arith.cmpi sgt, %add3A_13, %sign3A : i32
      %sign3A_66 = arith.extui %sign3A_65 : i1 to i32
      %sign3A_67 = arith.constant 0 : i32
      %sign3A_68 = arith.cmpi slt, %add3A_13, %sign3A_67 : i32
      %sign3A_69 = arith.extui %sign3A_68 : i1 to i32
      %sign3A_70 = arith.subi %sign3A_66, %sign3A_69 : i32
      %sign3A_71 = arith.constant 0 : i32
      %sign3A_72 = arith.cmpi sgt, %jit3A, %sign3A_71 : i32
      %sign3A_73 = arith.extui %sign3A_72 : i1 to i32
      %sign3A_74 = arith.constant 0 : i32
      %sign3A_75 = arith.cmpi slt, %jit3A, %sign3A_74 : i32
      %sign3A_76 = arith.extui %sign3A_75 : i1 to i32
      %sign3A_77 = arith.subi %sign3A_73, %sign3A_76 : i32
      %ne3A = arith.cmpi ne, %sign3A_70, %sign3A_77 : i32
      %rem3A_78 = arith.remsi %add3A_13, %jit3A : i32
      %ne3A_79 = arith.constant 0 : i32
      %ne3A_80 = arith.cmpi ne, %rem3A_78, %ne3A_79 : i32
      %and3A = arith.andi %ne3A, %ne3A_80 : i1
      %sub3A = arith.constant 1 : i32
      %sub3A_81 = arith.subi %div3A, %sub3A : i32
      %select_n3A_82 = arith.select %and3A, %sub3A_81, %div3A : i32
      %mul3A_83 = arith.constant 1 : i32
      %mul3A_84 = arith.muli %mul3A_83, %select_n3A_82 : i32
      %dma_start3A_85 = arith.constant 0 : i32
      %dma_start3A_86 = arith.constant 0 : i32
      %dma_start3A_87 = tpu.memref_slice %run_scoped3A_8[%rem3A_64, %dma_start3A_85, %dma_start3A_86] : memref<2x1x128xf32, #tpu.memory_space<vmem>> -> memref<1x1x128xf32, #tpu.memory_space<vmem>>
      %dma_start3A_88 = tpu.memref_squeeze %dma_start3A_87 : memref<1x1x128xf32, #tpu.memory_space<vmem>> -> memref<1x128xf32, #tpu.memory_space<vmem>>
      %dma_start3A_89 = arith.constant 0 : i32
      %dma_start3A_90 = tpu.memref_slice %arg3[%mul3A_84, %dma_start3A_89] : memref<512x128xf32, #tpu.memory_space<hbm>> -> memref<1x128xf32, #tpu.memory_space<hbm>>
      %dma_start3A_91 = tpu.memref_slice %run_scoped3A_9[%rem3A_64] : memref<2x!tpu.dma_semaphore, #tpu.memory_space<semaphore_mem>> -> memref<1x!tpu.dma_semaphore, #tpu.memory_space<semaphore_mem>>
      %dma_start3A_92 = tpu.memref_squeeze %dma_start3A_91 : memref<1x!tpu.dma_semaphore, #tpu.memory_space<semaphore_mem>> -> memref<!tpu.dma_semaphore, #tpu.memory_space<semaphore_mem>>
      %dma_start3A_93 = arith.constant 0 : i32
      %dma_start3A_94 = arith.constant 0 : i32
      %dma_start3A_95 = tpu.memref_slice %run_scoped3A_8[%rem3A_64, %dma_start3A_93, %dma_start3A_94] : memref<2x1x128xf32, #tpu.memory_space<vmem>> -> memref<1x1x128xf32, #tpu.memory_space<vmem>>
      %dma_start3A_96 = tpu.memref_squeeze %dma_start3A_95 : memref<1x1x128xf32, #tpu.memory_space<vmem>> -> memref<1x128xf32, #tpu.memory_space<vmem>>
      %dma_start3A_97 = arith.constant 0 : i32
      %dma_start3A_98 = tpu.memref_slice %arg3[%mul3A_84, %dma_start3A_97] : memref<512x128xf32, #tpu.memory_space<hbm>> -> memref<1x128xf32, #tpu.memory_space<hbm>>
      tpu.enqueue_dma source(%dma_start3A_98 : memref<1x128xf32, #tpu.memory_space<hbm>>) target(%dma_start3A_96 : memref<1x128xf32, #tpu.memory_space<vmem>>) target_semaphore(%dma_start3A_92 : memref<!tpu.dma_semaphore, #tpu.memory_space<semaphore_mem>>)
      %add3A_99 = arith.constant 0 : i32
      %add3A_100 = arith.constant 1 : i32
      %add3A_101 = arith.addi %add3A_99, %add3A_100 : i32
      %select_n3A_102 = arith.constant true
      %select_n3A_103 = arith.constant 0 : i32
      %select_n3A_104 = arith.select %select_n3A_102, %add3A_101, %select_n3A_103 : i32
      "tpu.trace_stop"() : () -> ()
      %scan3A = arith.constant 0 : i32
      %scan3A_105 = arith.constant 0 : i32
      %scan3A_106 = arith.constant 0 : i32
      %scan3A_107 = arith.constant 0 : i32
      %scan3A_108 = arith.constant 0 : i32
      %scan3A_109 = arith.constant 0 : i32
      %scan3A_110 = arith.constant 125 : i32
      %scan3A_111 = arith.addi %scan3A_109, %scan3A_110 : i32
      %scan3A_112 = arith.constant 1 : i32
      %scan3A_113:7 = scf.for %scan3A_168 = %scan3A_109 to %scan3A_111 step %scan3A_112 iter_args(%scan3A_169 = %select_n3A_61, %scan3A_170 = %scan3A, %scan3A_171 = %select_n3A_104, %scan3A_172 = %scan3A_105, %scan3A_173 = %scan3A_106, %scan3A_174 = %scan3A_107, %scan3A_175 = %scan3A_108) -> (i32, i32, i32, i32, i32, i32, i32)  : i32 {
        %eq3A_176 = arith.constant 0 : i32
        %eq3A_177 = arith.cmpi eq, %scan3A_168, %eq3A_176 : i32
        %eq3A_178 = arith.constant 124 : i32
        %eq3A_179 = arith.cmpi eq, %scan3A_168, %eq3A_178 : i32
        %add3A_180 = arith.addi %scan3A_175, %mul3A_6 : i32
        %sub3A_181 = arith.constant 1 : i32
        %sub3A_182 = arith.subi %scan3A_175, %sub3A_181 : i32
        %select_n3A_183 = arith.constant true
        %select_n3A_184 = arith.select %select_n3A_183, %sub3A_182, %scan3A_175 : i32
        %eq3A_185 = arith.constant -1 : i32
        %eq3A_186 = arith.cmpi eq, %select_n3A_184, %eq3A_185 : i32
        %select_n3A_187 = arith.constant 124 : i32
        %select_n3A_188 = arith.select %eq3A_186, %select_n3A_187, %select_n3A_184 : i32
        %add3A_189 = arith.addi %select_n3A_188, %mul3A_6 : i32
        %add3A_190 = arith.constant 1 : i32
        %add3A_191 = arith.addi %scan3A_175, %add3A_190 : i32
        %select_n3A_192 = arith.constant true
        %select_n3A_193 = arith.select %select_n3A_192, %add3A_191, %scan3A_175 : i32
        %eq3A_194 = arith.constant 125 : i32
        %eq3A_195 = arith.cmpi eq, %select_n3A_193, %eq3A_194 : i32
        %select_n3A_196 = arith.constant 0 : i32
        %select_n3A_197 = arith.select %eq3A_195, %select_n3A_196, %select_n3A_193 : i32
        %add3A_198 = arith.addi %select_n3A_197, %mul3A_6 : i32
        %add3A_199 = arith.constant 1 : i32
        %add3A_200 = arith.addi %select_n3A_197, %add3A_199 : i32
        %select_n3A_201 = arith.constant true
        %select_n3A_202 = arith.select %select_n3A_201, %add3A_200, %select_n3A_197 : i32
        %eq3A_203 = arith.constant 125 : i32
        %eq3A_204 = arith.cmpi eq, %select_n3A_202, %eq3A_203 : i32
        %select_n3A_205 = arith.constant 0 : i32
        %select_n3A_206 = arith.select %eq3A_204, %select_n3A_205, %select_n3A_202 : i32
        %add3A_207 = arith.addi %select_n3A_206, %mul3A_6 : i32
        %ne3A_208 = arith.cmpi ne, %add3A_180, %add3A_198 : i32
        %or3A = arith.constant false
        %or3A_209 = arith.ori %or3A, %ne3A_208 : i1
        %or3A_210 = arith.constant false
        %or3A_211 = arith.ori %or3A_209, %or3A_210 : i1
        %ge3A = arith.constant 124 : i32
        %ge3A_212 = arith.cmpi sge, %scan3A_168, %ge3A : i32
        %not3A = arith.constant true
        %not3A_213 = arith.xori %ge3A_212, %not3A : i1
        %and3A_214 = arith.andi %or3A_211, %not3A_213 : i1
        %convert_element_type3A = arith.extui %and3A_214 : i1 to i32
        %cond3A = arith.constant 0 : i32
        %cond3A_215 = arith.cmpi ne, %convert_element_type3A, %cond3A : i32
        scf.if %cond3A_215 {
          "tpu.trace_start"() <{level = 10 : i32, message = "ep_copy_in"}> : () -> ()
          %rem3A_631 = arith.constant 2 : i32
          %rem3A_632 = arith.remui %scan3A_169, %rem3A_631 : i32
          %mul3A_633 = arith.constant 128 : i32
          %mul3A_634 = arith.muli %mul3A_633, %add3A_198 : i32
          %dma_start3A_635 = arith.constant 0 : i32
          %dma_start3A_636 = arith.constant 0 : i32
          %dma_start3A_637 = tpu.memref_slice %run_scoped3A[%rem3A_632, %dma_start3A_635, %dma_start3A_636] : memref<2x128x128xf32, #tpu.memory_space<vmem>> -> memref<1x128x128xf32, #tpu.memory_space<vmem>>
          %dma_start3A_638 = tpu.memref_squeeze %dma_start3A_637 : memref<1x128x128xf32, #tpu.memory_space<vmem>> -> memref<128x128xf32, #tpu.memory_space<vmem>>
          %dma_start3A_639 = arith.constant 0 : i32
          %dma_start3A_640 = tpu.memref_slice %arg2[%mul3A_634, %dma_start3A_639] : memref<512000x128xf32, #tpu.memory_space<hbm>> -> memref<128x128xf32, #tpu.memory_space<hbm>>
          %dma_start3A_641 = tpu.memref_slice %run_scoped3A_7[%rem3A_632] : memref<2x!tpu.dma_semaphore, #tpu.memory_space<semaphore_mem>> -> memref<1x!tpu.dma_semaphore, #tpu.memory_space<semaphore_mem>>
          %dma_start3A_642 = tpu.memref_squeeze %dma_start3A_641 : memref<1x!tpu.dma_semaphore, #tpu.memory_space<semaphore_mem>> -> memref<!tpu.dma_semaphore, #tpu.memory_space<semaphore_mem>>
          %dma_start3A_643 = arith.constant 0 : i32
          %dma_start3A_644 = arith.constant 0 : i32
          %dma_start3A_645 = tpu.memref_slice %run_scoped3A[%rem3A_632, %dma_start3A_643, %dma_start3A_644] : memref<2x128x128xf32, #tpu.memory_space<vmem>> -> memref<1x128x128xf32, #tpu.memory_space<vmem>>
          %dma_start3A_646 = tpu.memref_squeeze %dma_start3A_645 : memref<1x128x128xf32, #tpu.memory_space<vmem>> -> memref<128x128xf32, #tpu.memory_space<vmem>>
          %dma_start3A_647 = arith.constant 0 : i32
          %dma_start3A_648 = tpu.memref_slice %arg2[%mul3A_634, %dma_start3A_647] : memref<512000x128xf32, #tpu.memory_space<hbm>> -> memref<128x128xf32, #tpu.memory_space<hbm>>
          tpu.enqueue_dma source(%dma_start3A_648 : memref<128x128xf32, #tpu.memory_space<hbm>>) target(%dma_start3A_646 : memref<128x128xf32, #tpu.memory_space<vmem>>) target_semaphore(%dma_start3A_642 : memref<!tpu.dma_semaphore, #tpu.memory_space<semaphore_mem>>)
          "tpu.trace_stop"() : () -> ()
        } else {
        }
        %and3A_216 = arith.constant true
        %and3A_217 = arith.andi %and3A_214, %and3A_216 : i1
        %add3A_218 = arith.constant 1 : i32
        %add3A_219 = arith.addi %scan3A_169, %add3A_218 : i32
        %select_n3A_220 = arith.select %and3A_217, %add3A_219, %scan3A_169 : i32
        %jit3A_221 = arith.constant 8 : i32
        %div3A_222 = arith.divsi %add3A_180, %jit3A_221 : i32
        %sign3A_223 = arith.constant 0 : i32
        %sign3A_224 = arith.cmpi sgt, %add3A_180, %sign3A_223 : i32
        %sign3A_225 = arith.extui %sign3A_224 : i1 to i32
        %sign3A_226 = arith.constant 0 : i32
        %sign3A_227 = arith.cmpi slt, %add3A_180, %sign3A_226 : i32
        %sign3A_228 = arith.extui %sign3A_227 : i1 to i32
        %sign3A_229 = arith.subi %sign3A_225, %sign3A_228 : i32
        %sign3A_230 = arith.constant 0 : i32
        %sign3A_231 = arith.cmpi sgt, %jit3A_221, %sign3A_230 : i32
        %sign3A_232 = arith.extui %sign3A_231 : i1 to i32
        %sign3A_233 = arith.constant 0 : i32
        %sign3A_234 = arith.cmpi slt, %jit3A_221, %sign3A_233 : i32
        %sign3A_235 = arith.extui %sign3A_234 : i1 to i32
        %sign3A_236 = arith.subi %sign3A_232, %sign3A_235 : i32
        %ne3A_237 = arith.cmpi ne, %sign3A_229, %sign3A_236 : i32
        %rem3A_238 = arith.remsi %add3A_180, %jit3A_221 : i32
        %ne3A_239 = arith.constant 0 : i32
        %ne3A_240 = arith.cmpi ne, %rem3A_238, %ne3A_239 : i32
        %and3A_241 = arith.andi %ne3A_237, %ne3A_240 : i1
        %sub3A_242 = arith.constant 1 : i32
        %sub3A_243 = arith.subi %div3A_222, %sub3A_242 : i32
        %select_n3A_244 = arith.select %and3A_241, %sub3A_243, %div3A_222 : i32
        %jit3A_245 = arith.constant 8 : i32
        %div3A_246 = arith.divsi %add3A_198, %jit3A_245 : i32
        %sign3A_247 = arith.constant 0 : i32
        %sign3A_248 = arith.cmpi sgt, %add3A_198, %sign3A_247 : i32
        %sign3A_249 = arith.extui %sign3A_248 : i1 to i32
        %sign3A_250 = arith.constant 0 : i32
        %sign3A_251 = arith.cmpi slt, %add3A_198, %sign3A_250 : i32
        %sign3A_252 = arith.extui %sign3A_251 : i1 to i32
        %sign3A_253 = arith.subi %sign3A_249, %sign3A_252 : i32
        %sign3A_254 = arith.constant 0 : i32
        %sign3A_255 = arith.cmpi sgt, %jit3A_245, %sign3A_254 : i32
        %sign3A_256 = arith.extui %sign3A_255 : i1 to i32
        %sign3A_257 = arith.constant 0 : i32
        %sign3A_258 = arith.cmpi slt, %jit3A_245, %sign3A_257 : i32
        %sign3A_259 = arith.extui %sign3A_258 : i1 to i32
        %sign3A_260 = arith.subi %sign3A_256, %sign3A_259 : i32
        %ne3A_261 = arith.cmpi ne, %sign3A_253, %sign3A_260 : i32
        %rem3A_262 = arith.remsi %add3A_198, %jit3A_245 : i32
        %ne3A_263 = arith.constant 0 : i32
        %ne3A_264 = arith.cmpi ne, %rem3A_262, %ne3A_263 : i32
        %and3A_265 = arith.andi %ne3A_261, %ne3A_264 : i1
        %sub3A_266 = arith.constant 1 : i32
        %sub3A_267 = arith.subi %div3A_246, %sub3A_266 : i32
        %select_n3A_268 = arith.select %and3A_265, %sub3A_267, %div3A_246 : i32
        %ne3A_269 = arith.cmpi ne, %select_n3A_244, %select_n3A_268 : i32
        %or3A_270 = arith.constant false
        %or3A_271 = arith.ori %or3A_270, %ne3A_269 : i1
        %or3A_272 = arith.constant false
        %or3A_273 = arith.ori %or3A_271, %or3A_272 : i1
        %ge3A_274 = arith.constant 124 : i32
        %ge3A_275 = arith.cmpi sge, %scan3A_168, %ge3A_274 : i32
        %not3A_276 = arith.constant true
        %not3A_277 = arith.xori %ge3A_275, %not3A_276 : i1
        %and3A_278 = arith.andi %or3A_273, %not3A_277 : i1
        %convert_element_type3A_279 = arith.extui %and3A_278 : i1 to i32
        %cond3A_280 = arith.constant 0 : i32
        %cond3A_281 = arith.cmpi ne, %convert_element_type3A_279, %cond3A_280 : i32
        scf.if %cond3A_281 {
          "tpu.trace_start"() <{level = 10 : i32, message = "ep_copy_in"}> : () -> ()
          %rem3A_631 = arith.constant 2 : i32
          %rem3A_632 = arith.remui %scan3A_171, %rem3A_631 : i32
          %jit3A_633 = arith.constant 8 : i32
          %div3A_634 = arith.divsi %add3A_198, %jit3A_633 : i32
          %sign3A_635 = arith.constant 0 : i32
          %sign3A_636 = arith.cmpi sgt, %add3A_198, %sign3A_635 : i32
          %sign3A_637 = arith.extui %sign3A_636 : i1 to i32
          %sign3A_638 = arith.constant 0 : i32
          %sign3A_639 = arith.cmpi slt, %add3A_198, %sign3A_638 : i32
          %sign3A_640 = arith.extui %sign3A_639 : i1 to i32
          %sign3A_641 = arith.subi %sign3A_637, %sign3A_640 : i32
          %sign3A_642 = arith.constant 0 : i32
          %sign3A_643 = arith.cmpi sgt, %jit3A_633, %sign3A_642 : i32
          %sign3A_644 = arith.extui %sign3A_643 : i1 to i32
          %sign3A_645 = arith.constant 0 : i32
          %sign3A_646 = arith.cmpi slt, %jit3A_633, %sign3A_645 : i32
          %sign3A_647 = arith.extui %sign3A_646 : i1 to i32
          %sign3A_648 = arith.subi %sign3A_644, %sign3A_647 : i32
          %ne3A_649 = arith.cmpi ne, %sign3A_641, %sign3A_648 : i32
          %rem3A_650 = arith.remsi %add3A_198, %jit3A_633 : i32
          %ne3A_651 = arith.constant 0 : i32
          %ne3A_652 = arith.cmpi ne, %rem3A_650, %ne3A_651 : i32
          %and3A_653 = arith.andi %ne3A_649, %ne3A_652 : i1
          %sub3A_654 = arith.constant 1 : i32
          %sub3A_655 = arith.subi %div3A_634, %sub3A_654 : i32
          %select_n3A_656 = arith.select %and3A_653, %sub3A_655, %div3A_634 : i32
          %mul3A_657 = arith.constant 1 : i32
          %mul3A_658 = arith.muli %mul3A_657, %select_n3A_656 : i32
          %dma_start3A_659 = arith.constant 0 : i32
          %dma_start3A_660 = arith.constant 0 : i32
          %dma_start3A_661 = tpu.memref_slice %run_scoped3A_8[%rem3A_632, %dma_start3A_659, %dma_start3A_660] : memref<2x1x128xf32, #tpu.memory_space<vmem>> -> memref<1x1x128xf32, #tpu.memory_space<vmem>>
          %dma_start3A_662 = tpu.memref_squeeze %dma_start3A_661 : memref<1x1x128xf32, #tpu.memory_space<vmem>> -> memref<1x128xf32, #tpu.memory_space<vmem>>
          %dma_start3A_663 = arith.constant 0 : i32
          %dma_start3A_664 = tpu.memref_slice %arg3[%mul3A_658, %dma_start3A_663] : memref<512x128xf32, #tpu.memory_space<hbm>> -> memref<1x128xf32, #tpu.memory_space<hbm>>
          %dma_start3A_665 = tpu.memref_slice %run_scoped3A_9[%rem3A_632] : memref<2x!tpu.dma_semaphore, #tpu.memory_space<semaphore_mem>> -> memref<1x!tpu.dma_semaphore, #tpu.memory_space<semaphore_mem>>
          %dma_start3A_666 = tpu.memref_squeeze %dma_start3A_665 : memref<1x!tpu.dma_semaphore, #tpu.memory_space<semaphore_mem>> -> memref<!tpu.dma_semaphore, #tpu.memory_space<semaphore_mem>>
          %dma_start3A_667 = arith.constant 0 : i32
          %dma_start3A_668 = arith.constant 0 : i32
          %dma_start3A_669 = tpu.memref_slice %run_scoped3A_8[%rem3A_632, %dma_start3A_667, %dma_start3A_668] : memref<2x1x128xf32, #tpu.memory_space<vmem>> -> memref<1x1x128xf32, #tpu.memory_space<vmem>>
          %dma_start3A_670 = tpu.memref_squeeze %dma_start3A_669 : memref<1x1x128xf32, #tpu.memory_space<vmem>> -> memref<1x128xf32, #tpu.memory_space<vmem>>
          %dma_start3A_671 = arith.constant 0 : i32
          %dma_start3A_672 = tpu.memref_slice %arg3[%mul3A_658, %dma_start3A_671] : memref<512x128xf32, #tpu.memory_space<hbm>> -> memref<1x128xf32, #tpu.memory_space<hbm>>
          tpu.enqueue_dma source(%dma_start3A_672 : memref<1x128xf32, #tpu.memory_space<hbm>>) target(%dma_start3A_670 : memref<1x128xf32, #tpu.memory_space<vmem>>) target_semaphore(%dma_start3A_666 : memref<!tpu.dma_semaphore, #tpu.memory_space<semaphore_mem>>)
          "tpu.trace_stop"() : () -> ()
        } else {
        }
        %and3A_282 = arith.constant true
        %and3A_283 = arith.andi %and3A_278, %and3A_282 : i1
        %add3A_284 = arith.constant 1 : i32
        %add3A_285 = arith.addi %scan3A_171, %add3A_284 : i32
        %select_n3A_286 = arith.select %and3A_283, %add3A_285, %scan3A_171 : i32
        %ne3A_287 = arith.cmpi ne, %add3A_180, %add3A_198 : i32
        %or3A_288 = arith.constant false
        %or3A_289 = arith.ori %or3A_288, %ne3A_287 : i1
        %or3A_290 = arith.constant false
        %or3A_291 = arith.ori %or3A_289, %or3A_290 : i1
        %ge3A_292 = arith.constant 124 : i32
        %ge3A_293 = arith.cmpi sge, %scan3A_168, %ge3A_292 : i32
        %not3A_294 = arith.constant true
        %not3A_295 = arith.xori %ge3A_293, %not3A_294 : i1
        %and3A_296 = arith.andi %or3A_291, %not3A_295 : i1
        %ne3A_297 = arith.cmpi ne, %add3A_180, %add3A_189 : i32
        %or3A_298 = arith.constant false
        %or3A_299 = arith.ori %or3A_298, %ne3A_297 : i1
        %or3A_300 = arith.constant false
        %or3A_301 = arith.ori %or3A_299, %or3A_300 : i1
        %or3A_302 = arith.ori %or3A_301, %eq3A_177 : i1
        %convert_element_type3A_303 = arith.extui %or3A_302 : i1 to i32
        %cond3A_304 = arith.constant 0 : i32
        %cond3A_305 = arith.cmpi ne, %convert_element_type3A_303, %cond3A_304 : i32
        scf.if %cond3A_305 {
          "tpu.trace_start"() <{level = 10 : i32, message = "ep_wait_in"}> : () -> ()
          %mul3A_631 = arith.constant 128 : i32
          %mul3A_632 = arith.muli %mul3A_631, %add3A_180 : i32
          %rem3A_633 = arith.constant 2 : i32
          %rem3A_634 = arith.remui %scan3A_170, %rem3A_633 : i32
          %dma_wait3A_635 = arith.constant 0 : i32
          %dma_wait3A_636 = arith.constant 0 : i32
          %dma_wait3A_637 = tpu.memref_slice %run_scoped3A[%rem3A_634, %dma_wait3A_635, %dma_wait3A_636] : memref<2x128x128xf32, #tpu.memory_space<vmem>> -> memref<1x128x128xf32, #tpu.memory_space<vmem>>
          %dma_wait3A_638 = tpu.memref_squeeze %dma_wait3A_637 : memref<1x128x128xf32, #tpu.memory_space<vmem>> -> memref<128x128xf32, #tpu.memory_space<vmem>>
          %dma_wait3A_639 = arith.constant 0 : i32
          %dma_wait3A_640 = tpu.memref_slice %arg2[%mul3A_632, %dma_wait3A_639] : memref<512000x128xf32, #tpu.memory_space<hbm>> -> memref<128x128xf32, #tpu.memory_space<hbm>>
          %dma_wait3A_641 = tpu.memref_slice %run_scoped3A_7[%rem3A_634] : memref<2x!tpu.dma_semaphore, #tpu.memory_space<semaphore_mem>> -> memref<1x!tpu.dma_semaphore, #tpu.memory_space<semaphore_mem>>
          %dma_wait3A_642 = tpu.memref_squeeze %dma_wait3A_641 : memref<1x!tpu.dma_semaphore, #tpu.memory_space<semaphore_mem>> -> memref<!tpu.dma_semaphore, #tpu.memory_space<semaphore_mem>>
          %dma_wait3A_643 = arith.constant 0 : i32
          %dma_wait3A_644 = arith.constant 0 : i32
          %dma_wait3A_645 = tpu.memref_slice %run_scoped3A[%rem3A_634, %dma_wait3A_643, %dma_wait3A_644] : memref<2x128x128xf32, #tpu.memory_space<vmem>> -> memref<1x128x128xf32, #tpu.memory_space<vmem>>
          %dma_wait3A_646 = tpu.memref_squeeze %dma_wait3A_645 : memref<1x128x128xf32, #tpu.memory_space<vmem>> -> memref<128x128xf32, #tpu.memory_space<vmem>>
          %dma_wait3A_647 = arith.constant 0 : i32
          %dma_wait3A_648 = tpu.memref_slice %arg2[%mul3A_632, %dma_wait3A_647] : memref<512000x128xf32, #tpu.memory_space<hbm>> -> memref<128x128xf32, #tpu.memory_space<hbm>>
          tpu.wait_dma2 semaphore(%dma_wait3A_642 : memref<!tpu.dma_semaphore, #tpu.memory_space<semaphore_mem>>) src(%dma_wait3A_648 : memref<128x128xf32, #tpu.memory_space<hbm>>) dst(%dma_wait3A_646 : memref<128x128xf32, #tpu.memory_space<vmem>>)
          "tpu.trace_stop"() : () -> ()
        } else {
        }
        %jit3A_306 = arith.constant 8 : i32
        %div3A_307 = arith.divsi %add3A_180, %jit3A_306 : i32
        %sign3A_308 = arith.constant 0 : i32
        %sign3A_309 = arith.cmpi sgt, %add3A_180, %sign3A_308 : i32
        %sign3A_310 = arith.extui %sign3A_309 : i1 to i32
        %sign3A_311 = arith.constant 0 : i32
        %sign3A_312 = arith.cmpi slt, %add3A_180, %sign3A_311 : i32
        %sign3A_313 = arith.extui %sign3A_312 : i1 to i32
        %sign3A_314 = arith.subi %sign3A_310, %sign3A_313 : i32
        %sign3A_315 = arith.constant 0 : i32
        %sign3A_316 = arith.cmpi sgt, %jit3A_306, %sign3A_315 : i32
        %sign3A_317 = arith.extui %sign3A_316 : i1 to i32
        %sign3A_318 = arith.constant 0 : i32
        %sign3A_319 = arith.cmpi slt, %jit3A_306, %sign3A_318 : i32
        %sign3A_320 = arith.extui %sign3A_319 : i1 to i32
        %sign3A_321 = arith.subi %sign3A_317, %sign3A_320 : i32
        %ne3A_322 = arith.cmpi ne, %sign3A_314, %sign3A_321 : i32
        %rem3A_323 = arith.remsi %add3A_180, %jit3A_306 : i32
        %ne3A_324 = arith.constant 0 : i32
        %ne3A_325 = arith.cmpi ne, %rem3A_323, %ne3A_324 : i32
        %and3A_326 = arith.andi %ne3A_322, %ne3A_325 : i1
        %sub3A_327 = arith.constant 1 : i32
        %sub3A_328 = arith.subi %div3A_307, %sub3A_327 : i32
        %select_n3A_329 = arith.select %and3A_326, %sub3A_328, %div3A_307 : i32
        %jit3A_330 = arith.constant 8 : i32
        %div3A_331 = arith.divsi %add3A_189, %jit3A_330 : i32
        %sign3A_332 = arith.constant 0 : i32
        %sign3A_333 = arith.cmpi sgt, %add3A_189, %sign3A_332 : i32
        %sign3A_334 = arith.extui %sign3A_333 : i1 to i32
        %sign3A_335 = arith.constant 0 : i32
        %sign3A_336 = arith.cmpi slt, %add3A_189, %sign3A_335 : i32
        %sign3A_337 = arith.extui %sign3A_336 : i1 to i32
        %sign3A_338 = arith.subi %sign3A_334, %sign3A_337 : i32
        %sign3A_339 = arith.constant 0 : i32
        %sign3A_340 = arith.cmpi sgt, %jit3A_330, %sign3A_339 : i32
        %sign3A_341 = arith.extui %sign3A_340 : i1 to i32
        %sign3A_342 = arith.constant 0 : i32
        %sign3A_343 = arith.cmpi slt, %jit3A_330, %sign3A_342 : i32
        %sign3A_344 = arith.extui %sign3A_343 : i1 to i32
        %sign3A_345 = arith.subi %sign3A_341, %sign3A_344 : i32
        %ne3A_346 = arith.cmpi ne, %sign3A_338, %sign3A_345 : i32
        %rem3A_347 = arith.remsi %add3A_189, %jit3A_330 : i32
        %ne3A_348 = arith.constant 0 : i32
        %ne3A_349 = arith.cmpi ne, %rem3A_347, %ne3A_348 : i32
        %and3A_350 = arith.andi %ne3A_346, %ne3A_349 : i1
        %sub3A_351 = arith.constant 1 : i32
        %sub3A_352 = arith.subi %div3A_331, %sub3A_351 : i32
        %select_n3A_353 = arith.select %and3A_350, %sub3A_352, %div3A_331 : i32
        %ne3A_354 = arith.cmpi ne, %select_n3A_329, %select_n3A_353 : i32
        %or3A_355 = arith.constant false
        %or3A_356 = arith.ori %or3A_355, %ne3A_354 : i1
        %or3A_357 = arith.constant false
        %or3A_358 = arith.ori %or3A_356, %or3A_357 : i1
        %or3A_359 = arith.ori %or3A_358, %eq3A_177 : i1
        %convert_element_type3A_360 = arith.extui %or3A_359 : i1 to i32
        %cond3A_361 = arith.constant 0 : i32
        %cond3A_362 = arith.cmpi ne, %convert_element_type3A_360, %cond3A_361 : i32
        scf.if %cond3A_362 {
          %jit3A_631 = arith.constant 8 : i32
          "tpu.trace_start"() <{level = 10 : i32, message = "ep_wait_in"}> : () -> ()
          %div3A_632 = arith.divsi %add3A_180, %jit3A_631 : i32
          %sign3A_633 = arith.constant 0 : i32
          %sign3A_634 = arith.cmpi sgt, %add3A_180, %sign3A_633 : i32
          %sign3A_635 = arith.extui %sign3A_634 : i1 to i32
          %sign3A_636 = arith.constant 0 : i32
          %sign3A_637 = arith.cmpi slt, %add3A_180, %sign3A_636 : i32
          %sign3A_638 = arith.extui %sign3A_637 : i1 to i32
          %sign3A_639 = arith.subi %sign3A_635, %sign3A_638 : i32
          %sign3A_640 = arith.constant 0 : i32
          %sign3A_641 = arith.cmpi sgt, %jit3A_631, %sign3A_640 : i32
          %sign3A_642 = arith.extui %sign3A_641 : i1 to i32
          %sign3A_643 = arith.constant 0 : i32
          %sign3A_644 = arith.cmpi slt, %jit3A_631, %sign3A_643 : i32
          %sign3A_645 = arith.extui %sign3A_644 : i1 to i32
          %sign3A_646 = arith.subi %sign3A_642, %sign3A_645 : i32
          %ne3A_647 = arith.cmpi ne, %sign3A_639, %sign3A_646 : i32
          %rem3A_648 = arith.remsi %add3A_180, %jit3A_631 : i32
          %ne3A_649 = arith.constant 0 : i32
          %ne3A_650 = arith.cmpi ne, %rem3A_648, %ne3A_649 : i32
          %and3A_651 = arith.andi %ne3A_647, %ne3A_650 : i1
          %sub3A_652 = arith.constant 1 : i32
          %sub3A_653 = arith.subi %div3A_632, %sub3A_652 : i32
          %select_n3A_654 = arith.select %and3A_651, %sub3A_653, %div3A_632 : i32
          %mul3A_655 = arith.constant 1 : i32
          %mul3A_656 = arith.muli %mul3A_655, %select_n3A_654 : i32
          %rem3A_657 = arith.constant 2 : i32
          %rem3A_658 = arith.remui %scan3A_172, %rem3A_657 : i32
          %dma_wait3A_659 = arith.constant 0 : i32
          %dma_wait3A_660 = arith.constant 0 : i32
          %dma_wait3A_661 = tpu.memref_slice %run_scoped3A_8[%rem3A_658, %dma_wait3A_659, %dma_wait3A_660] : memref<2x1x128xf32, #tpu.memory_space<vmem>> -> memref<1x1x128xf32, #tpu.memory_space<vmem>>
          %dma_wait3A_662 = tpu.memref_squeeze %dma_wait3A_661 : memref<1x1x128xf32, #tpu.memory_space<vmem>> -> memref<1x128xf32, #tpu.memory_space<vmem>>
          %dma_wait3A_663 = arith.constant 0 : i32
          %dma_wait3A_664 = tpu.memref_slice %arg3[%mul3A_656, %dma_wait3A_663] : memref<512x128xf32, #tpu.memory_space<hbm>> -> memref<1x128xf32, #tpu.memory_space<hbm>>
          %dma_wait3A_665 = tpu.memref_slice %run_scoped3A_9[%rem3A_658] : memref<2x!tpu.dma_semaphore, #tpu.memory_space<semaphore_mem>> -> memref<1x!tpu.dma_semaphore, #tpu.memory_space<semaphore_mem>>
          %dma_wait3A_666 = tpu.memref_squeeze %dma_wait3A_665 : memref<1x!tpu.dma_semaphore, #tpu.memory_space<semaphore_mem>> -> memref<!tpu.dma_semaphore, #tpu.memory_space<semaphore_mem>>
          %dma_wait3A_667 = arith.constant 0 : i32
          %dma_wait3A_668 = arith.constant 0 : i32
          %dma_wait3A_669 = tpu.memref_slice %run_scoped3A_8[%rem3A_658, %dma_wait3A_667, %dma_wait3A_668] : memref<2x1x128xf32, #tpu.memory_space<vmem>> -> memref<1x1x128xf32, #tpu.memory_space<vmem>>
          %dma_wait3A_670 = tpu.memref_squeeze %dma_wait3A_669 : memref<1x1x128xf32, #tpu.memory_space<vmem>> -> memref<1x128xf32, #tpu.memory_space<vmem>>
          %dma_wait3A_671 = arith.constant 0 : i32
          %dma_wait3A_672 = tpu.memref_slice %arg3[%mul3A_656, %dma_wait3A_671] : memref<512x128xf32, #tpu.memory_space<hbm>> -> memref<1x128xf32, #tpu.memory_space<hbm>>
          tpu.wait_dma2 semaphore(%dma_wait3A_666 : memref<!tpu.dma_semaphore, #tpu.memory_space<semaphore_mem>>) src(%dma_wait3A_672 : memref<1x128xf32, #tpu.memory_space<hbm>>) dst(%dma_wait3A_670 : memref<1x128xf32, #tpu.memory_space<vmem>>)
          "tpu.trace_stop"() : () -> ()
        } else {
        }
        %ne3A_363 = arith.cmpi ne, %add3A_180, %add3A_189 : i32
        %or3A_364 = arith.constant false
        %or3A_365 = arith.ori %or3A_364, %ne3A_363 : i1
        %or3A_366 = arith.constant false
        %or3A_367 = arith.ori %or3A_365, %or3A_366 : i1
        %or3A_368 = arith.ori %or3A_367, %eq3A_177 : i1
        %convert_element_type3A_369 = arith.extui %or3A_368 : i1 to i32
        %cond3A_370 = arith.constant 0 : i32
        %cond3A_371 = arith.cmpi ne, %convert_element_type3A_369, %cond3A_370 : i32
        scf.if %cond3A_371 {
        } else {
        }
        %rem3A_372 = arith.constant 2 : i32
        %rem3A_373 = arith.remui %scan3A_170, %rem3A_372 : i32
        %rem3A_374 = arith.constant 2 : i32
        %rem3A_375 = arith.remui %scan3A_172, %rem3A_374 : i32
        %rem3A_376 = arith.constant 2 : i32
        %rem3A_377 = arith.remui %scan3A_173, %rem3A_376 : i32
        "tpu.trace_start"() <{level = 10 : i32, message = "ep_run_kernel"}> : () -> ()
        %scan3A_378 = arith.constant 0 : i32
        %scan3A_379 = arith.constant 128 : i32
        %scan3A_380 = arith.addi %scan3A_378, %scan3A_379 : i32
        %scan3A_381 = arith.constant 1 : i32
        scf.for %scan3A_631 = %scan3A_378 to %scan3A_380 step %scan3A_381  : i32 {
          %mul3A_632 = arith.constant 1 : i32
          %mul3A_633 = arith.muli %scan3A_631, %mul3A_632 : i32
          %add3A_634 = arith.constant 0 : i32
          %add3A_635 = arith.addi %add3A_634, %mul3A_633 : i32
          %get3A = arith.constant 0 : i32
          %get3A_636 = arith.constant 0 : i32
          %get3A_637 = tpu.memref_slice %run_scoped3A[%rem3A_373, %get3A, %get3A_636] : memref<2x128x128xf32, #tpu.memory_space<vmem>> -> memref<1x128x128xf32, #tpu.memory_space<vmem>>
          %get3A_638 = tpu.memref_squeeze %get3A_637 : memref<1x128x128xf32, #tpu.memory_space<vmem>> -> memref<128x128xf32, #tpu.memory_space<vmem>>
          %get3A_639 = arith.index_cast %add3A_635 : i32 to index
          %get3A_640 = arith.constant 0 : index
          %get3A_641 = tpu.vector_load %get3A_638[%get3A_639, %get3A_640] {strides = array<i32>} : memref<128x128xf32, #tpu.memory_space<vmem>>, vector<1x16xf32>,
          %get3A_642 = vector.shape_cast %get3A_641 : vector<1x16xf32> to vector<1x16xf32>
          %get3A_643 = arith.constant 0 : i32
          %get3A_644 = arith.constant 0 : i32
          %get3A_645 = tpu.memref_slice %run_scoped3A_8[%rem3A_375, %get3A_643, %get3A_644] : memref<2x1x128xf32, #tpu.memory_space<vmem>> -> memref<1x1x128xf32, #tpu.memory_space<vmem>>
          %get3A_646 = tpu.memref_squeeze %get3A_645 : memref<1x1x128xf32, #tpu.memory_space<vmem>> -> memref<1x128xf32, #tpu.memory_space<vmem>>
          %get3A_647 = arith.constant 0 : index
          %get3A_648 = arith.constant 0 : index
          %get3A_649 = tpu.vector_load %get3A_646[%get3A_647, %get3A_648] {strides = array<i32>} : memref<1x128xf32, #tpu.memory_space<vmem>>, vector<1x16xf32>,
          %get3A_650 = vector.shape_cast %get3A_649 : vector<1x16xf32> to vector<1x16xf32>
          %add3A_651 = arith.addf %get3A_642, %get3A_650 : vector<1x16xf32>
          %swap3A = arith.constant 0 : i32
          %swap3A_652 = arith.constant 0 : i32
          %swap3A_653 = tpu.memref_slice %run_scoped3A_10[%rem3A_377, %swap3A, %swap3A_652] : memref<2x128x128xf32, #tpu.memory_space<vmem>> -> memref<1x128x128xf32, #tpu.memory_space<vmem>>
          %swap3A_654 = tpu.memref_squeeze %swap3A_653 : memref<1x128x128xf32, #tpu.memory_space<vmem>> -> memref<128x128xf32, #tpu.memory_space<vmem>>
          %swap3A_655 = arith.index_cast %add3A_635 : i32 to index
          %swap3A_656 = arith.constant 0 : index
          %swap3A_657 = tpu.vector_load %swap3A_654[%swap3A_655, %swap3A_656] {strides = array<i32>} : memref<128x128xf32, #tpu.memory_space<vmem>>, vector<1x16xf32>,
          %swap3A_658 = vector.shape_cast %swap3A_657 : vector<1x16xf32> to vector<1x16xf32>
          %swap3A_659 = vector.shape_cast %add3A_651 : vector<1x16xf32> to vector<1x16xf32>
          tpu.vector_store %swap3A_654[%swap3A_655, %swap3A_656], %swap3A_659 {strides = array<i32>} : memref<128x128xf32, #tpu.memory_space<vmem>>, vector<1x16xf32>,
          %get3A_660 = arith.constant 0 : i32
          %get3A_661 = arith.constant 0 : i32
          %get3A_662 = tpu.memref_slice %run_scoped3A[%rem3A_373, %get3A_660, %get3A_661] : memref<2x128x128xf32, #tpu.memory_space<vmem>> -> memref<1x128x128xf32, #tpu.memory_space<vmem>>
          %get3A_663 = tpu.memref_squeeze %get3A_662 : memref<1x128x128xf32, #tpu.memory_space<vmem>> -> memref<128x128xf32, #tpu.memory_space<vmem>>
          %get3A_664 = arith.index_cast %add3A_635 : i32 to index
          %get3A_665 = arith.constant 16 : index
          %get3A_666 = tpu.vector_load %get3A_663[%get3A_664, %get3A_665] {strides = array<i32>} : memref<128x128xf32, #tpu.memory_space<vmem>>, vector<1x16xf32>,
          %get3A_667 = vector.shape_cast %get3A_666 : vector<1x16xf32> to vector<1x16xf32>
          %get3A_668 = arith.constant 0 : i32
          %get3A_669 = arith.constant 0 : i32
          %get3A_670 = tpu.memref_slice %run_scoped3A_8[%rem3A_375, %get3A_668, %get3A_669] : memref<2x1x128xf32, #tpu.memory_space<vmem>> -> memref<1x1x128xf32, #tpu.memory_space<vmem>>
          %get3A_671 = tpu.memref_squeeze %get3A_670 : memref<1x1x128xf32, #tpu.memory_space<vmem>> -> memref<1x128xf32, #tpu.memory_space<vmem>>
          %get3A_672 = arith.constant 0 : index
          %get3A_673 = arith.constant 16 : index
          %get3A_674 = tpu.vector_load %get3A_671[%get3A_672, %get3A_673] {strides = array<i32>} : memref<1x128xf32, #tpu.memory_space<vmem>>, vector<1x16xf32>,
          %get3A_675 = vector.shape_cast %get3A_674 : vector<1x16xf32> to vector<1x16xf32>
          %add3A_676 = arith.addf %get3A_667, %get3A_675 : vector<1x16xf32>
          %swap3A_677 = arith.constant 0 : i32
          %swap3A_678 = arith.constant 0 : i32
          %swap3A_679 = tpu.memref_slice %run_scoped3A_10[%rem3A_377, %swap3A_677, %swap3A_678] : memref<2x128x128xf32, #tpu.memory_space<vmem>> -> memref<1x128x128xf32, #tpu.memory_space<vmem>>
          %swap3A_680 = tpu.memref_squeeze %swap3A_679 : memref<1x128x128xf32, #tpu.memory_space<vmem>> -> memref<128x128xf32, #tpu.memory_space<vmem>>
          %swap3A_681 = arith.index_cast %add3A_635 : i32 to index
          %swap3A_682 = arith.constant 16 : index
          %swap3A_683 = tpu.vector_load %swap3A_680[%swap3A_681, %swap3A_682] {strides = array<i32>} : memref<128x128xf32, #tpu.memory_space<vmem>>, vector<1x16xf32>,
          %swap3A_684 = vector.shape_cast %swap3A_683 : vector<1x16xf32> to vector<1x16xf32>
          %swap3A_685 = vector.shape_cast %add3A_676 : vector<1x16xf32> to vector<1x16xf32>
          tpu.vector_store %swap3A_680[%swap3A_681, %swap3A_682], %swap3A_685 {strides = array<i32>} : memref<128x128xf32, #tpu.memory_space<vmem>>, vector<1x16xf32>,
          %get3A_686 = arith.constant 0 : i32
          %get3A_687 = arith.constant 0 : i32
          %get3A_688 = tpu.memref_slice %run_scoped3A[%rem3A_373, %get3A_686, %get3A_687] : memref<2x128x128xf32, #tpu.memory_space<vmem>> -> memref<1x128x128xf32, #tpu.memory_space<vmem>>
          %get3A_689 = tpu.memref_squeeze %get3A_688 : memref<1x128x128xf32, #tpu.memory_space<vmem>> -> memref<128x128xf32, #tpu.memory_space<vmem>>
          %get3A_690 = arith.index_cast %add3A_635 : i32 to index
          %get3A_691 = arith.constant 32 : index
          %get3A_692 = tpu.vector_load %get3A_689[%get3A_690, %get3A_691] {strides = array<i32>} : memref<128x128xf32, #tpu.memory_space<vmem>>, vector<1x16xf32>,
          %get3A_693 = vector.shape_cast %get3A_692 : vector<1x16xf32> to vector<1x16xf32>
          %get3A_694 = arith.constant 0 : i32
          %get3A_695 = arith.constant 0 : i32
          %get3A_696 = tpu.memref_slice %run_scoped3A_8[%rem3A_375, %get3A_694, %get3A_695] : memref<2x1x128xf32, #tpu.memory_space<vmem>> -> memref<1x1x128xf32, #tpu.memory_space<vmem>>
          %get3A_697 = tpu.memref_squeeze %get3A_696 : memref<1x1x128xf32, #tpu.memory_space<vmem>> -> memref<1x128xf32, #tpu.memory_space<vmem>>
          %get3A_698 = arith.constant 0 : index
          %get3A_699 = arith.constant 32 : index
          %get3A_700 = tpu.vector_load %get3A_697[%get3A_698, %get3A_699] {strides = array<i32>} : memref<1x128xf32, #tpu.memory_space<vmem>>, vector<1x16xf32>,
          %get3A_701 = vector.shape_cast %get3A_700 : vector<1x16xf32> to vector<1x16xf32>
          %add3A_702 = arith.addf %get3A_693, %get3A_701 : vector<1x16xf32>
          %swap3A_703 = arith.constant 0 : i32
          %swap3A_704 = arith.constant 0 : i32
          %swap3A_705 = tpu.memref_slice %run_scoped3A_10[%rem3A_377, %swap3A_703, %swap3A_704] : memref<2x128x128xf32, #tpu.memory_space<vmem>> -> memref<1x128x128xf32, #tpu.memory_space<vmem>>
          %swap3A_706 = tpu.memref_squeeze %swap3A_705 : memref<1x128x128xf32, #tpu.memory_space<vmem>> -> memref<128x128xf32, #tpu.memory_space<vmem>>
          %swap3A_707 = arith.index_cast %add3A_635 : i32 to index
          %swap3A_708 = arith.constant 32 : index
          %swap3A_709 = tpu.vector_load %swap3A_706[%swap3A_707, %swap3A_708] {strides = array<i32>} : memref<128x128xf32, #tpu.memory_space<vmem>>, vector<1x16xf32>,
          %swap3A_710 = vector.shape_cast %swap3A_709 : vector<1x16xf32> to vector<1x16xf32>
          %swap3A_711 = vector.shape_cast %add3A_702 : vector<1x16xf32> to vector<1x16xf32>
          tpu.vector_store %swap3A_706[%swap3A_707, %swap3A_708], %swap3A_711 {strides = array<i32>} : memref<128x128xf32, #tpu.memory_space<vmem>>, vector<1x16xf32>,
          %get3A_712 = arith.constant 0 : i32
          %get3A_713 = arith.constant 0 : i32
          %get3A_714 = tpu.memref_slice %run_scoped3A[%rem3A_373, %get3A_712, %get3A_713] : memref<2x128x128xf32, #tpu.memory_space<vmem>> -> memref<1x128x128xf32, #tpu.memory_space<vmem>>
          %get3A_715 = tpu.memref_squeeze %get3A_714 : memref<1x128x128xf32, #tpu.memory_space<vmem>> -> memref<128x128xf32, #tpu.memory_space<vmem>>
          %get3A_716 = arith.index_cast %add3A_635 : i32 to index
          %get3A_717 = arith.constant 48 : index
          %get3A_718 = tpu.vector_load %get3A_715[%get3A_716, %get3A_717] {strides = array<i32>} : memref<128x128xf32, #tpu.memory_space<vmem>>, vector<1x16xf32>,
          %get3A_719 = vector.shape_cast %get3A_718 : vector<1x16xf32> to vector<1x16xf32>
          %get3A_720 = arith.constant 0 : i32
          %get3A_721 = arith.constant 0 : i32
          %get3A_722 = tpu.memref_slice %run_scoped3A_8[%rem3A_375, %get3A_720, %get3A_721] : memref<2x1x128xf32, #tpu.memory_space<vmem>> -> memref<1x1x128xf32, #tpu.memory_space<vmem>>
          %get3A_723 = tpu.memref_squeeze %get3A_722 : memref<1x1x128xf32, #tpu.memory_space<vmem>> -> memref<1x128xf32, #tpu.memory_space<vmem>>
          %get3A_724 = arith.constant 0 : index
          %get3A_725 = arith.constant 48 : index
          %get3A_726 = tpu.vector_load %get3A_723[%get3A_724, %get3A_725] {strides = array<i32>} : memref<1x128xf32, #tpu.memory_space<vmem>>, vector<1x16xf32>,
          %get3A_727 = vector.shape_cast %get3A_726 : vector<1x16xf32> to vector<1x16xf32>
          %add3A_728 = arith.addf %get3A_719, %get3A_727 : vector<1x16xf32>
          %swap3A_729 = arith.constant 0 : i32
          %swap3A_730 = arith.constant 0 : i32
          %swap3A_731 = tpu.memref_slice %run_scoped3A_10[%rem3A_377, %swap3A_729, %swap3A_730] : memref<2x128x128xf32, #tpu.memory_space<vmem>> -> memref<1x128x128xf32, #tpu.memory_space<vmem>>
          %swap3A_732 = tpu.memref_squeeze %swap3A_731 : memref<1x128x128xf32, #tpu.memory_space<vmem>> -> memref<128x128xf32, #tpu.memory_space<vmem>>
          %swap3A_733 = arith.index_cast %add3A_635 : i32 to index
          %swap3A_734 = arith.constant 48 : index
          %swap3A_735 = tpu.vector_load %swap3A_732[%swap3A_733, %swap3A_734] {strides = array<i32>} : memref<128x128xf32, #tpu.memory_space<vmem>>, vector<1x16xf32>,
          %swap3A_736 = vector.shape_cast %swap3A_735 : vector<1x16xf32> to vector<1x16xf32>
          %swap3A_737 = vector.shape_cast %add3A_728 : vector<1x16xf32> to vector<1x16xf32>
          tpu.vector_store %swap3A_732[%swap3A_733, %swap3A_734], %swap3A_737 {strides = array<i32>} : memref<128x128xf32, #tpu.memory_space<vmem>>, vector<1x16xf32>,
          %get3A_738 = arith.constant 0 : i32
          %get3A_739 = arith.constant 0 : i32
          %get3A_740 = tpu.memref_slice %run_scoped3A[%rem3A_373, %get3A_738, %get3A_739] : memref<2x128x128xf32, #tpu.memory_space<vmem>> -> memref<1x128x128xf32, #tpu.memory_space<vmem>>
          %get3A_741 = tpu.memref_squeeze %get3A_740 : memref<1x128x128xf32, #tpu.memory_space<vmem>> -> memref<128x128xf32, #tpu.memory_space<vmem>>
          %get3A_742 = arith.index_cast %add3A_635 : i32 to index
          %get3A_743 = arith.constant 64 : index
          %get3A_744 = tpu.vector_load %get3A_741[%get3A_742, %get3A_743] {strides = array<i32>} : memref<128x128xf32, #tpu.memory_space<vmem>>, vector<1x16xf32>,
          %get3A_745 = vector.shape_cast %get3A_744 : vector<1x16xf32> to vector<1x16xf32>
          %get3A_746 = arith.constant 0 : i32
          %get3A_747 = arith.constant 0 : i32
          %get3A_748 = tpu.memref_slice %run_scoped3A_8[%rem3A_375, %get3A_746, %get3A_747] : memref<2x1x128xf32, #tpu.memory_space<vmem>> -> memref<1x1x128xf32, #tpu.memory_space<vmem>>
          %get3A_749 = tpu.memref_squeeze %get3A_748 : memref<1x1x128xf32, #tpu.memory_space<vmem>> -> memref<1x128xf32, #tpu.memory_space<vmem>>
          %get3A_750 = arith.constant 0 : index
          %get3A_751 = arith.constant 64 : index
          %get3A_752 = tpu.vector_load %get3A_749[%get3A_750, %get3A_751] {strides = array<i32>} : memref<1x128xf32, #tpu.memory_space<vmem>>, vector<1x16xf32>,
          %get3A_753 = vector.shape_cast %get3A_752 : vector<1x16xf32> to vector<1x16xf32>
          %add3A_754 = arith.addf %get3A_745, %get3A_753 : vector<1x16xf32>
          %swap3A_755 = arith.constant 0 : i32
          %swap3A_756 = arith.constant 0 : i32
          %swap3A_757 = tpu.memref_slice %run_scoped3A_10[%rem3A_377, %swap3A_755, %swap3A_756] : memref<2x128x128xf32, #tpu.memory_space<vmem>> -> memref<1x128x128xf32, #tpu.memory_space<vmem>>
          %swap3A_758 = tpu.memref_squeeze %swap3A_757 : memref<1x128x128xf32, #tpu.memory_space<vmem>> -> memref<128x128xf32, #tpu.memory_space<vmem>>
          %swap3A_759 = arith.index_cast %add3A_635 : i32 to index
          %swap3A_760 = arith.constant 64 : index
          %swap3A_761 = tpu.vector_load %swap3A_758[%swap3A_759, %swap3A_760] {strides = array<i32>} : memref<128x128xf32, #tpu.memory_space<vmem>>, vector<1x16xf32>,
          %swap3A_762 = vector.shape_cast %swap3A_761 : vector<1x16xf32> to vector<1x16xf32>
          %swap3A_763 = vector.shape_cast %add3A_754 : vector<1x16xf32> to vector<1x16xf32>
          tpu.vector_store %swap3A_758[%swap3A_759, %swap3A_760], %swap3A_763 {strides = array<i32>} : memref<128x128xf32, #tpu.memory_space<vmem>>, vector<1x16xf32>,
          %get3A_764 = arith.constant 0 : i32
          %get3A_765 = arith.constant 0 : i32
          %get3A_766 = tpu.memref_slice %run_scoped3A[%rem3A_373, %get3A_764, %get3A_765] : memref<2x128x128xf32, #tpu.memory_space<vmem>> -> memref<1x128x128xf32, #tpu.memory_space<vmem>>
          %get3A_767 = tpu.memref_squeeze %get3A_766 : memref<1x128x128xf32, #tpu.memory_space<vmem>> -> memref<128x128xf32, #tpu.memory_space<vmem>>
          %get3A_768 = arith.index_cast %add3A_635 : i32 to index
          %get3A_769 = arith.constant 80 : index
          %get3A_770 = tpu.vector_load %get3A_767[%get3A_768, %get3A_769] {strides = array<i32>} : memref<128x128xf32, #tpu.memory_space<vmem>>, vector<1x16xf32>,
          %get3A_771 = vector.shape_cast %get3A_770 : vector<1x16xf32> to vector<1x16xf32>
          %get3A_772 = arith.constant 0 : i32
          %get3A_773 = arith.constant 0 : i32
          %get3A_774 = tpu.memref_slice %run_scoped3A_8[%rem3A_375, %get3A_772, %get3A_773] : memref<2x1x128xf32, #tpu.memory_space<vmem>> -> memref<1x1x128xf32, #tpu.memory_space<vmem>>
          %get3A_775 = tpu.memref_squeeze %get3A_774 : memref<1x1x128xf32, #tpu.memory_space<vmem>> -> memref<1x128xf32, #tpu.memory_space<vmem>>
          %get3A_776 = arith.constant 0 : index
          %get3A_777 = arith.constant 80 : index
          %get3A_778 = tpu.vector_load %get3A_775[%get3A_776, %get3A_777] {strides = array<i32>} : memref<1x128xf32, #tpu.memory_space<vmem>>, vector<1x16xf32>,
          %get3A_779 = vector.shape_cast %get3A_778 : vector<1x16xf32> to vector<1x16xf32>
          %add3A_780 = arith.addf %get3A_771, %get3A_779 : vector<1x16xf32>
          %swap3A_781 = arith.constant 0 : i32
          %swap3A_782 = arith.constant 0 : i32
          %swap3A_783 = tpu.memref_slice %run_scoped3A_10[%rem3A_377, %swap3A_781, %swap3A_782] : memref<2x128x128xf32, #tpu.memory_space<vmem>> -> memref<1x128x128xf32, #tpu.memory_space<vmem>>
          %swap3A_784 = tpu.memref_squeeze %swap3A_783 : memref<1x128x128xf32, #tpu.memory_space<vmem>> -> memref<128x128xf32, #tpu.memory_space<vmem>>
          %swap3A_785 = arith.index_cast %add3A_635 : i32 to index
          %swap3A_786 = arith.constant 80 : index
          %swap3A_787 = tpu.vector_load %swap3A_784[%swap3A_785, %swap3A_786] {strides = array<i32>} : memref<128x128xf32, #tpu.memory_space<vmem>>, vector<1x16xf32>,
          %swap3A_788 = vector.shape_cast %swap3A_787 : vector<1x16xf32> to vector<1x16xf32>
          %swap3A_789 = vector.shape_cast %add3A_780 : vector<1x16xf32> to vector<1x16xf32>
          tpu.vector_store %swap3A_784[%swap3A_785, %swap3A_786], %swap3A_789 {strides = array<i32>} : memref<128x128xf32, #tpu.memory_space<vmem>>, vector<1x16xf32>,
          %get3A_790 = arith.constant 0 : i32
          %get3A_791 = arith.constant 0 : i32
          %get3A_792 = tpu.memref_slice %run_scoped3A[%rem3A_373, %get3A_790, %get3A_791] : memref<2x128x128xf32, #tpu.memory_space<vmem>> -> memref<1x128x128xf32, #tpu.memory_space<vmem>>
          %get3A_793 = tpu.memref_squeeze %get3A_792 : memref<1x128x128xf32, #tpu.memory_space<vmem>> -> memref<128x128xf32, #tpu.memory_space<vmem>>
          %get3A_794 = arith.index_cast %add3A_635 : i32 to index
          %get3A_795 = arith.constant 96 : index
          %get3A_796 = tpu.vector_load %get3A_793[%get3A_794, %get3A_795] {strides = array<i32>} : memref<128x128xf32, #tpu.memory_space<vmem>>, vector<1x16xf32>,
          %get3A_797 = vector.shape_cast %get3A_796 : vector<1x16xf32> to vector<1x16xf32>
          %get3A_798 = arith.constant 0 : i32
          %get3A_799 = arith.constant 0 : i32
          %get3A_800 = tpu.memref_slice %run_scoped3A_8[%rem3A_375, %get3A_798, %get3A_799] : memref<2x1x128xf32, #tpu.memory_space<vmem>> -> memref<1x1x128xf32, #tpu.memory_space<vmem>>
          %get3A_801 = tpu.memref_squeeze %get3A_800 : memref<1x1x128xf32, #tpu.memory_space<vmem>> -> memref<1x128xf32, #tpu.memory_space<vmem>>
          %get3A_802 = arith.constant 0 : index
          %get3A_803 = arith.constant 96 : index
          %get3A_804 = tpu.vector_load %get3A_801[%get3A_802, %get3A_803] {strides = array<i32>} : memref<1x128xf32, #tpu.memory_space<vmem>>, vector<1x16xf32>,
          %get3A_805 = vector.shape_cast %get3A_804 : vector<1x16xf32> to vector<1x16xf32>
          %add3A_806 = arith.addf %get3A_797, %get3A_805 : vector<1x16xf32>
          %swap3A_807 = arith.constant 0 : i32
          %swap3A_808 = arith.constant 0 : i32
          %swap3A_809 = tpu.memref_slice %run_scoped3A_10[%rem3A_377, %swap3A_807, %swap3A_808] : memref<2x128x128xf32, #tpu.memory_space<vmem>> -> memref<1x128x128xf32, #tpu.memory_space<vmem>>
          %swap3A_810 = tpu.memref_squeeze %swap3A_809 : memref<1x128x128xf32, #tpu.memory_space<vmem>> -> memref<128x128xf32, #tpu.memory_space<vmem>>
          %swap3A_811 = arith.index_cast %add3A_635 : i32 to index
          %swap3A_812 = arith.constant 96 : index
          %swap3A_813 = tpu.vector_load %swap3A_810[%swap3A_811, %swap3A_812] {strides = array<i32>} : memref<128x128xf32, #tpu.memory_space<vmem>>, vector<1x16xf32>,
          %swap3A_814 = vector.shape_cast %swap3A_813 : vector<1x16xf32> to vector<1x16xf32>
          %swap3A_815 = vector.shape_cast %add3A_806 : vector<1x16xf32> to vector<1x16xf32>
          tpu.vector_store %swap3A_810[%swap3A_811, %swap3A_812], %swap3A_815 {strides = array<i32>} : memref<128x128xf32, #tpu.memory_space<vmem>>, vector<1x16xf32>,
          %get3A_816 = arith.constant 0 : i32
          %get3A_817 = arith.constant 0 : i32
          %get3A_818 = tpu.memref_slice %run_scoped3A[%rem3A_373, %get3A_816, %get3A_817] : memref<2x128x128xf32, #tpu.memory_space<vmem>> -> memref<1x128x128xf32, #tpu.memory_space<vmem>>
          %get3A_819 = tpu.memref_squeeze %get3A_818 : memref<1x128x128xf32, #tpu.memory_space<vmem>> -> memref<128x128xf32, #tpu.memory_space<vmem>>
          %get3A_820 = arith.index_cast %add3A_635 : i32 to index
          %get3A_821 = arith.constant 112 : index
          %get3A_822 = tpu.vector_load %get3A_819[%get3A_820, %get3A_821] {strides = array<i32>} : memref<128x128xf32, #tpu.memory_space<vmem>>, vector<1x16xf32>,
          %get3A_823 = vector.shape_cast %get3A_822 : vector<1x16xf32> to vector<1x16xf32>
          %get3A_824 = arith.constant 0 : i32
          %get3A_825 = arith.constant 0 : i32
          %get3A_826 = tpu.memref_slice %run_scoped3A_8[%rem3A_375, %get3A_824, %get3A_825] : memref<2x1x128xf32, #tpu.memory_space<vmem>> -> memref<1x1x128xf32, #tpu.memory_space<vmem>>
          %get3A_827 = tpu.memref_squeeze %get3A_826 : memref<1x1x128xf32, #tpu.memory_space<vmem>> -> memref<1x128xf32, #tpu.memory_space<vmem>>
          %get3A_828 = arith.constant 0 : index
          %get3A_829 = arith.constant 112 : index
          %get3A_830 = tpu.vector_load %get3A_827[%get3A_828, %get3A_829] {strides = array<i32>} : memref<1x128xf32, #tpu.memory_space<vmem>>, vector<1x16xf32>,
          %get3A_831 = vector.shape_cast %get3A_830 : vector<1x16xf32> to vector<1x16xf32>
          %add3A_832 = arith.addf %get3A_823, %get3A_831 : vector<1x16xf32>
          %swap3A_833 = arith.constant 0 : i32
          %swap3A_834 = arith.constant 0 : i32
          %swap3A_835 = tpu.memref_slice %run_scoped3A_10[%rem3A_377, %swap3A_833, %swap3A_834] : memref<2x128x128xf32, #tpu.memory_space<vmem>> -> memref<1x128x128xf32, #tpu.memory_space<vmem>>
          %swap3A_836 = tpu.memref_squeeze %swap3A_835 : memref<1x128x128xf32, #tpu.memory_space<vmem>> -> memref<128x128xf32, #tpu.memory_space<vmem>>
          %swap3A_837 = arith.index_cast %add3A_635 : i32 to index
          %swap3A_838 = arith.constant 112 : index
          %swap3A_839 = tpu.vector_load %swap3A_836[%swap3A_837, %swap3A_838] {strides = array<i32>} : memref<128x128xf32, #tpu.memory_space<vmem>>, vector<1x16xf32>,
          %swap3A_840 = vector.shape_cast %swap3A_839 : vector<1x16xf32> to vector<1x16xf32>
          %swap3A_841 = vector.shape_cast %add3A_832 : vector<1x16xf32> to vector<1x16xf32>
          tpu.vector_store %swap3A_836[%swap3A_837, %swap3A_838], %swap3A_841 {strides = array<i32>} : memref<128x128xf32, #tpu.memory_space<vmem>>, vector<1x16xf32>,
        }
        %scan3A_382 = arith.constant 128 : i32
        "tpu.trace_stop"() : () -> ()
        %ne3A_383 = arith.cmpi ne, %add3A_180, %add3A_198 : i32
        %or3A_384 = arith.constant false
        %or3A_385 = arith.ori %or3A_384, %ne3A_383 : i1
        %or3A_386 = arith.constant false
        %or3A_387 = arith.ori %or3A_385, %or3A_386 : i1
        %or3A_388 = arith.ori %or3A_387, %eq3A_179 : i1
        %convert_element_type3A_389 = arith.extui %or3A_388 : i1 to i32
        %cond3A_390 = arith.constant 0 : i32
        %cond3A_391 = arith.cmpi ne, %convert_element_type3A_389, %cond3A_390 : i32
        scf.if %cond3A_391 {
        } else {
        }
        %and3A_392 = arith.constant false
        %and3A_393 = arith.andi %or3A_388, %and3A_392 : i1
        %jit3A_394 = arith.constant 8 : i32
        %div3A_395 = arith.divsi %add3A_180, %jit3A_394 : i32
        %sign3A_396 = arith.constant 0 : i32
        %sign3A_397 = arith.cmpi sgt, %add3A_180, %sign3A_396 : i32
        %sign3A_398 = arith.extui %sign3A_397 : i1 to i32
        %sign3A_399 = arith.constant 0 : i32
        %sign3A_400 = arith.cmpi slt, %add3A_180, %sign3A_399 : i32
        %sign3A_401 = arith.extui %sign3A_400 : i1 to i32
        %sign3A_402 = arith.subi %sign3A_398, %sign3A_401 : i32
        %sign3A_403 = arith.constant 0 : i32
        %sign3A_404 = arith.cmpi sgt, %jit3A_394, %sign3A_403 : i32
        %sign3A_405 = arith.extui %sign3A_404 : i1 to i32
        %sign3A_406 = arith.constant 0 : i32
        %sign3A_407 = arith.cmpi slt, %jit3A_394, %sign3A_406 : i32
        %sign3A_408 = arith.extui %sign3A_407 : i1 to i32
        %sign3A_409 = arith.subi %sign3A_405, %sign3A_408 : i32
        %ne3A_410 = arith.cmpi ne, %sign3A_402, %sign3A_409 : i32
        %rem3A_411 = arith.remsi %add3A_180, %jit3A_394 : i32
        %ne3A_412 = arith.constant 0 : i32
        %ne3A_413 = arith.cmpi ne, %rem3A_411, %ne3A_412 : i32
        %and3A_414 = arith.andi %ne3A_410, %ne3A_413 : i1
        %sub3A_415 = arith.constant 1 : i32
        %sub3A_416 = arith.subi %div3A_395, %sub3A_415 : i32
        %select_n3A_417 = arith.select %and3A_414, %sub3A_416, %div3A_395 : i32
        %jit3A_418 = arith.constant 8 : i32
        %div3A_419 = arith.divsi %add3A_198, %jit3A_418 : i32
        %sign3A_420 = arith.constant 0 : i32
        %sign3A_421 = arith.cmpi sgt, %add3A_198, %sign3A_420 : i32
        %sign3A_422 = arith.extui %sign3A_421 : i1 to i32
        %sign3A_423 = arith.constant 0 : i32
        %sign3A_424 = arith.cmpi slt, %add3A_198, %sign3A_423 : i32
        %sign3A_425 = arith.extui %sign3A_424 : i1 to i32
        %sign3A_426 = arith.subi %sign3A_422, %sign3A_425 : i32
        %sign3A_427 = arith.constant 0 : i32
        %sign3A_428 = arith.cmpi sgt, %jit3A_418, %sign3A_427 : i32
        %sign3A_429 = arith.extui %sign3A_428 : i1 to i32
        %sign3A_430 = arith.constant 0 : i32
        %sign3A_431 = arith.cmpi slt, %jit3A_418, %sign3A_430 : i32
        %sign3A_432 = arith.extui %sign3A_431 : i1 to i32
        %sign3A_433 = arith.subi %sign3A_429, %sign3A_432 : i32
        %ne3A_434 = arith.cmpi ne, %sign3A_426, %sign3A_433 : i32
        %rem3A_435 = arith.remsi %add3A_198, %jit3A_418 : i32
        %ne3A_436 = arith.constant 0 : i32
        %ne3A_437 = arith.cmpi ne, %rem3A_435, %ne3A_436 : i32
        %and3A_438 = arith.andi %ne3A_434, %ne3A_437 : i1
        %sub3A_439 = arith.constant 1 : i32
        %sub3A_440 = arith.subi %div3A_419, %sub3A_439 : i32
        %select_n3A_441 = arith.select %and3A_438, %sub3A_440, %div3A_419 : i32
        %ne3A_442 = arith.cmpi ne, %select_n3A_417, %select_n3A_441 : i32
        %or3A_443 = arith.constant false
        %or3A_444 = arith.ori %or3A_443, %ne3A_442 : i1
        %or3A_445 = arith.constant false
        %or3A_446 = arith.ori %or3A_444, %or3A_445 : i1
        %or3A_447 = arith.ori %or3A_446, %eq3A_179 : i1
        %convert_element_type3A_448 = arith.extui %or3A_447 : i1 to i32
        %cond3A_449 = arith.constant 0 : i32
        %cond3A_450 = arith.cmpi ne, %convert_element_type3A_448, %cond3A_449 : i32
        scf.if %cond3A_450 {
        } else {
        }
        %and3A_451 = arith.constant false
        %and3A_452 = arith.andi %or3A_447, %and3A_451 : i1
        %ne3A_453 = arith.cmpi ne, %add3A_180, %add3A_198 : i32
        %or3A_454 = arith.constant false
        %or3A_455 = arith.ori %or3A_454, %ne3A_453 : i1
        %or3A_456 = arith.constant false
        %or3A_457 = arith.ori %or3A_455, %or3A_456 : i1
        %or3A_458 = arith.ori %or3A_457, %eq3A_179 : i1
        %convert_element_type3A_459 = arith.extui %or3A_458 : i1 to i32
        %cond3A_460 = arith.constant 0 : i32
        %cond3A_461 = arith.cmpi ne, %convert_element_type3A_459, %cond3A_460 : i32
        scf.if %cond3A_461 {
          "tpu.trace_start"() <{level = 10 : i32, message = "ep_copy_out"}> : () -> ()
          %rem3A_631 = arith.constant 2 : i32
          %rem3A_632 = arith.remui %scan3A_173, %rem3A_631 : i32
          %mul3A_633 = arith.constant 128 : i32
          %mul3A_634 = arith.muli %mul3A_633, %add3A_180 : i32
          %dma_start3A_635 = arith.constant 0 : i32
          %dma_start3A_636 = arith.constant 0 : i32
          %dma_start3A_637 = tpu.memref_slice %run_scoped3A_10[%rem3A_632, %dma_start3A_635, %dma_start3A_636] : memref<2x128x128xf32, #tpu.memory_space<vmem>> -> memref<1x128x128xf32, #tpu.memory_space<vmem>>
          %dma_start3A_638 = tpu.memref_squeeze %dma_start3A_637 : memref<1x128x128xf32, #tpu.memory_space<vmem>> -> memref<128x128xf32, #tpu.memory_space<vmem>>
          %dma_start3A_639 = arith.constant 0 : i32
          %dma_start3A_640 = tpu.memref_slice %arg4[%mul3A_634, %dma_start3A_639] : memref<512000x128xf32, #tpu.memory_space<hbm>> -> memref<128x128xf32, #tpu.memory_space<hbm>>
          %dma_start3A_641 = tpu.memref_slice %run_scoped3A_11[%rem3A_632] : memref<2x!tpu.dma_semaphore, #tpu.memory_space<semaphore_mem>> -> memref<1x!tpu.dma_semaphore, #tpu.memory_space<semaphore_mem>>
          %dma_start3A_642 = tpu.memref_squeeze %dma_start3A_641 : memref<1x!tpu.dma_semaphore, #tpu.memory_space<semaphore_mem>> -> memref<!tpu.dma_semaphore, #tpu.memory_space<semaphore_mem>>
          %dma_start3A_643 = arith.constant 0 : i32
          %dma_start3A_644 = tpu.memref_slice %arg4[%mul3A_634, %dma_start3A_643] : memref<512000x128xf32, #tpu.memory_space<hbm>> -> memref<128x128xf32, #tpu.memory_space<hbm>>
          %dma_start3A_645 = arith.constant 0 : i32
          %dma_start3A_646 = arith.constant 0 : i32
          %dma_start3A_647 = tpu.memref_slice %run_scoped3A_10[%rem3A_632, %dma_start3A_645, %dma_start3A_646] : memref<2x128x128xf32, #tpu.memory_space<vmem>> -> memref<1x128x128xf32, #tpu.memory_space<vmem>>
          %dma_start3A_648 = tpu.memref_squeeze %dma_start3A_647 : memref<1x128x128xf32, #tpu.memory_space<vmem>> -> memref<128x128xf32, #tpu.memory_space<vmem>>
          tpu.enqueue_dma source(%dma_start3A_648 : memref<128x128xf32, #tpu.memory_space<vmem>>) target(%dma_start3A_644 : memref<128x128xf32, #tpu.memory_space<hbm>>) target_semaphore(%dma_start3A_642 : memref<!tpu.dma_semaphore, #tpu.memory_space<semaphore_mem>>)
          "tpu.trace_stop"() : () -> ()
        } else {
        }
        %and3A_462 = arith.constant true
        %and3A_463 = arith.andi %or3A_458, %and3A_462 : i1
        %add3A_464 = arith.constant 1 : i32
        %add3A_465 = arith.addi %scan3A_173, %add3A_464 : i32
        %select_n3A_466 = arith.select %and3A_463, %add3A_465, %scan3A_173 : i32
        %ne3A_467 = arith.cmpi ne, %add3A_180, %add3A_189 : i32
        %or3A_468 = arith.constant false
        %or3A_469 = arith.ori %or3A_468, %ne3A_467 : i1
        %or3A_470 = arith.constant false
        %or3A_471 = arith.ori %or3A_469, %or3A_470 : i1
        %not3A_472 = arith.constant true
        %not3A_473 = arith.xori %eq3A_177, %not3A_472 : i1
        %and3A_474 = arith.andi %or3A_471, %not3A_473 : i1
        %convert_element_type3A_475 = arith.extui %and3A_474 : i1 to i32
        %cond3A_476 = arith.constant 0 : i32
        %cond3A_477 = arith.cmpi ne, %convert_element_type3A_475, %cond3A_476 : i32
        scf.if %cond3A_477 {
        } else {
        }
        %and3A_478 = arith.constant false
        %and3A_479 = arith.andi %and3A_474, %and3A_478 : i1
        %jit3A_480 = arith.constant 8 : i32
        %div3A_481 = arith.divsi %add3A_180, %jit3A_480 : i32
        %sign3A_482 = arith.constant 0 : i32
        %sign3A_483 = arith.cmpi sgt, %add3A_180, %sign3A_482 : i32
        %sign3A_484 = arith.extui %sign3A_483 : i1 to i32
        %sign3A_485 = arith.constant 0 : i32
        %sign3A_486 = arith.cmpi slt, %add3A_180, %sign3A_485 : i32
        %sign3A_487 = arith.extui %sign3A_486 : i1 to i32
        %sign3A_488 = arith.subi %sign3A_484, %sign3A_487 : i32
        %sign3A_489 = arith.constant 0 : i32
        %sign3A_490 = arith.cmpi sgt, %jit3A_480, %sign3A_489 : i32
        %sign3A_491 = arith.extui %sign3A_490 : i1 to i32
        %sign3A_492 = arith.constant 0 : i32
        %sign3A_493 = arith.cmpi slt, %jit3A_480, %sign3A_492 : i32
        %sign3A_494 = arith.extui %sign3A_493 : i1 to i32
        %sign3A_495 = arith.subi %sign3A_491, %sign3A_494 : i32
        %ne3A_496 = arith.cmpi ne, %sign3A_488, %sign3A_495 : i32
        %rem3A_497 = arith.remsi %add3A_180, %jit3A_480 : i32
        %ne3A_498 = arith.constant 0 : i32
        %ne3A_499 = arith.cmpi ne, %rem3A_497, %ne3A_498 : i32
        %and3A_500 = arith.andi %ne3A_496, %ne3A_499 : i1
        %sub3A_501 = arith.constant 1 : i32
        %sub3A_502 = arith.subi %div3A_481, %sub3A_501 : i32
        %select_n3A_503 = arith.select %and3A_500, %sub3A_502, %div3A_481 : i32
        %jit3A_504 = arith.constant 8 : i32
        %div3A_505 = arith.divsi %add3A_189, %jit3A_504 : i32
        %sign3A_506 = arith.constant 0 : i32
        %sign3A_507 = arith.cmpi sgt, %add3A_189, %sign3A_506 : i32
        %sign3A_508 = arith.extui %sign3A_507 : i1 to i32
        %sign3A_509 = arith.constant 0 : i32
        %sign3A_510 = arith.cmpi slt, %add3A_189, %sign3A_509 : i32
        %sign3A_511 = arith.extui %sign3A_510 : i1 to i32
        %sign3A_512 = arith.subi %sign3A_508, %sign3A_511 : i32
        %sign3A_513 = arith.constant 0 : i32
        %sign3A_514 = arith.cmpi sgt, %jit3A_504, %sign3A_513 : i32
        %sign3A_515 = arith.extui %sign3A_514 : i1 to i32
        %sign3A_516 = arith.constant 0 : i32
        %sign3A_517 = arith.cmpi slt, %jit3A_504, %sign3A_516 : i32
        %sign3A_518 = arith.extui %sign3A_517 : i1 to i32
        %sign3A_519 = arith.subi %sign3A_515, %sign3A_518 : i32
        %ne3A_520 = arith.cmpi ne, %sign3A_512, %sign3A_519 : i32
        %rem3A_521 = arith.remsi %add3A_189, %jit3A_504 : i32
        %ne3A_522 = arith.constant 0 : i32
        %ne3A_523 = arith.cmpi ne, %rem3A_521, %ne3A_522 : i32
        %and3A_524 = arith.andi %ne3A_520, %ne3A_523 : i1
        %sub3A_525 = arith.constant 1 : i32
        %sub3A_526 = arith.subi %div3A_505, %sub3A_525 : i32
        %select_n3A_527 = arith.select %and3A_524, %sub3A_526, %div3A_505 : i32
        %ne3A_528 = arith.cmpi ne, %select_n3A_503, %select_n3A_527 : i32
        %or3A_529 = arith.constant false
        %or3A_530 = arith.ori %or3A_529, %ne3A_528 : i1
        %or3A_531 = arith.constant false
        %or3A_532 = arith.ori %or3A_530, %or3A_531 : i1
        %not3A_533 = arith.constant true
        %not3A_534 = arith.xori %eq3A_177, %not3A_533 : i1
        %and3A_535 = arith.andi %or3A_532, %not3A_534 : i1
        %convert_element_type3A_536 = arith.extui %and3A_535 : i1 to i32
        %cond3A_537 = arith.constant 0 : i32
        %cond3A_538 = arith.cmpi ne, %convert_element_type3A_536, %cond3A_537 : i32
        scf.if %cond3A_538 {
        } else {
        }
        %and3A_539 = arith.constant false
        %and3A_540 = arith.andi %and3A_535, %and3A_539 : i1
        %ne3A_541 = arith.cmpi ne, %add3A_180, %add3A_189 : i32
        %or3A_542 = arith.constant false
        %or3A_543 = arith.ori %or3A_542, %ne3A_541 : i1
        %or3A_544 = arith.constant false
        %or3A_545 = arith.ori %or3A_543, %or3A_544 : i1
        %not3A_546 = arith.constant true
        %not3A_547 = arith.xori %eq3A_177, %not3A_546 : i1
        %and3A_548 = arith.andi %or3A_545, %not3A_547 : i1
        %convert_element_type3A_549 = arith.extui %and3A_548 : i1 to i32
        %cond3A_550 = arith.constant 0 : i32
        %cond3A_551 = arith.cmpi ne, %convert_element_type3A_549, %cond3A_550 : i32
        scf.if %cond3A_551 {
          "tpu.trace_start"() <{level = 10 : i32, message = "ep_wait_out"}> : () -> ()
          %rem3A_631 = arith.constant 2 : i32
          %rem3A_632 = arith.remui %scan3A_174, %rem3A_631 : i32
          %mul3A_633 = arith.constant 128 : i32
          %mul3A_634 = arith.muli %mul3A_633, %add3A_189 : i32
          %dma_wait3A_635 = arith.constant 0 : i32
          %dma_wait3A_636 = arith.constant 0 : i32
          %dma_wait3A_637 = tpu.memref_slice %run_scoped3A_10[%rem3A_632, %dma_wait3A_635, %dma_wait3A_636] : memref<2x128x128xf32, #tpu.memory_space<vmem>> -> memref<1x128x128xf32, #tpu.memory_space<vmem>>
          %dma_wait3A_638 = tpu.memref_squeeze %dma_wait3A_637 : memref<1x128x128xf32, #tpu.memory_space<vmem>> -> memref<128x128xf32, #tpu.memory_space<vmem>>
          %dma_wait3A_639 = arith.constant 0 : i32
          %dma_wait3A_640 = tpu.memref_slice %arg4[%mul3A_634, %dma_wait3A_639] : memref<512000x128xf32, #tpu.memory_space<hbm>> -> memref<128x128xf32, #tpu.memory_space<hbm>>
          %dma_wait3A_641 = tpu.memref_slice %run_scoped3A_11[%rem3A_632] : memref<2x!tpu.dma_semaphore, #tpu.memory_space<semaphore_mem>> -> memref<1x!tpu.dma_semaphore, #tpu.memory_space<semaphore_mem>>
          %dma_wait3A_642 = tpu.memref_squeeze %dma_wait3A_641 : memref<1x!tpu.dma_semaphore, #tpu.memory_space<semaphore_mem>> -> memref<!tpu.dma_semaphore, #tpu.memory_space<semaphore_mem>>
          %dma_wait3A_643 = arith.constant 0 : i32
          %dma_wait3A_644 = tpu.memref_slice %arg4[%mul3A_634, %dma_wait3A_643] : memref<512000x128xf32, #tpu.memory_space<hbm>> -> memref<128x128xf32, #tpu.memory_space<hbm>>
          %dma_wait3A_645 = arith.constant 0 : i32
          %dma_wait3A_646 = arith.constant 0 : i32
          %dma_wait3A_647 = tpu.memref_slice %run_scoped3A_10[%rem3A_632, %dma_wait3A_645, %dma_wait3A_646] : memref<2x128x128xf32, #tpu.memory_space<vmem>> -> memref<1x128x128xf32, #tpu.memory_space<vmem>>
          %dma_wait3A_648 = tpu.memref_squeeze %dma_wait3A_647 : memref<1x128x128xf32, #tpu.memory_space<vmem>> -> memref<128x128xf32, #tpu.memory_space<vmem>>
          tpu.wait_dma2 semaphore(%dma_wait3A_642 : memref<!tpu.dma_semaphore, #tpu.memory_space<semaphore_mem>>) src(%dma_wait3A_648 : memref<128x128xf32, #tpu.memory_space<vmem>>) dst(%dma_wait3A_644 : memref<128x128xf32, #tpu.memory_space<hbm>>)
          "tpu.trace_stop"() : () -> ()
        } else {
        }
        %and3A_552 = arith.constant true
        %and3A_553 = arith.andi %and3A_548, %and3A_552 : i1
        %add3A_554 = arith.constant 1 : i32
        %add3A_555 = arith.addi %scan3A_174, %add3A_554 : i32
        %select_n3A_556 = arith.select %and3A_553, %add3A_555, %scan3A_174 : i32
        %ne3A_557 = arith.cmpi ne, %add3A_180, %add3A_198 : i32
        %or3A_558 = arith.constant false
        %or3A_559 = arith.ori %or3A_558, %ne3A_557 : i1
        %or3A_560 = arith.constant false
        %or3A_561 = arith.ori %or3A_559, %or3A_560 : i1
        %or3A_562 = arith.ori %or3A_561, %eq3A_179 : i1
        %add3A_563 = arith.constant 1 : i32
        %add3A_564 = arith.addi %scan3A_170, %add3A_563 : i32
        %select_n3A_565 = arith.select %or3A_562, %add3A_564, %scan3A_170 : i32
        %jit3A_566 = arith.constant 8 : i32
        %div3A_567 = arith.divsi %add3A_180, %jit3A_566 : i32
        %sign3A_568 = arith.constant 0 : i32
        %sign3A_569 = arith.cmpi sgt, %add3A_180, %sign3A_568 : i32
        %sign3A_570 = arith.extui %sign3A_569 : i1 to i32
        %sign3A_571 = arith.constant 0 : i32
        %sign3A_572 = arith.cmpi slt, %add3A_180, %sign3A_571 : i32
        %sign3A_573 = arith.extui %sign3A_572 : i1 to i32
        %sign3A_574 = arith.subi %sign3A_570, %sign3A_573 : i32
        %sign3A_575 = arith.constant 0 : i32
        %sign3A_576 = arith.cmpi sgt, %jit3A_566, %sign3A_575 : i32
        %sign3A_577 = arith.extui %sign3A_576 : i1 to i32
        %sign3A_578 = arith.constant 0 : i32
        %sign3A_579 = arith.cmpi slt, %jit3A_566, %sign3A_578 : i32
        %sign3A_580 = arith.extui %sign3A_579 : i1 to i32
        %sign3A_581 = arith.subi %sign3A_577, %sign3A_580 : i32
        %ne3A_582 = arith.cmpi ne, %sign3A_574, %sign3A_581 : i32
        %rem3A_583 = arith.remsi %add3A_180, %jit3A_566 : i32
        %ne3A_584 = arith.constant 0 : i32
        %ne3A_585 = arith.cmpi ne, %rem3A_583, %ne3A_584 : i32
        %and3A_586 = arith.andi %ne3A_582, %ne3A_585 : i1
        %sub3A_587 = arith.constant 1 : i32
        %sub3A_588 = arith.subi %div3A_567, %sub3A_587 : i32
        %select_n3A_589 = arith.select %and3A_586, %sub3A_588, %div3A_567 : i32
        %jit3A_590 = arith.constant 8 : i32
        %div3A_591 = arith.divsi %add3A_198, %jit3A_590 : i32
        %sign3A_592 = arith.constant 0 : i32
        %sign3A_593 = arith.cmpi sgt, %add3A_198, %sign3A_592 : i32
        %sign3A_594 = arith.extui %sign3A_593 : i1 to i32
        %sign3A_595 = arith.constant 0 : i32
        %sign3A_596 = arith.cmpi slt, %add3A_198, %sign3A_595 : i32
        %sign3A_597 = arith.extui %sign3A_596 : i1 to i32
        %sign3A_598 = arith.subi %sign3A_594, %sign3A_597 : i32
        %sign3A_599 = arith.constant 0 : i32
        %sign3A_600 = arith.cmpi sgt, %jit3A_590, %sign3A_599 : i32
        %sign3A_601 = arith.extui %sign3A_600 : i1 to i32
        %sign3A_602 = arith.constant 0 : i32
        %sign3A_603 = arith.cmpi slt, %jit3A_590, %sign3A_602 : i32
        %sign3A_604 = arith.extui %sign3A_603 : i1 to i32
        %sign3A_605 = arith.subi %sign3A_601, %sign3A_604 : i32
        %ne3A_606 = arith.cmpi ne, %sign3A_598, %sign3A_605 : i32
        %rem3A_607 = arith.remsi %add3A_198, %jit3A_590 : i32
        %ne3A_608 = arith.constant 0 : i32
        %ne3A_609 = arith.cmpi ne, %rem3A_607, %ne3A_608 : i32
        %and3A_610 = arith.andi %ne3A_606, %ne3A_609 : i1
        %sub3A_611 = arith.constant 1 : i32
        %sub3A_612 = arith.subi %div3A_591, %sub3A_611 : i32
        %select_n3A_613 = arith.select %and3A_610, %sub3A_612, %div3A_591 : i32
        %ne3A_614 = arith.cmpi ne, %select_n3A_589, %select_n3A_613 : i32
        %or3A_615 = arith.constant false
        %or3A_616 = arith.ori %or3A_615, %ne3A_614 : i1
        %or3A_617 = arith.constant false
        %or3A_618 = arith.ori %or3A_616, %or3A_617 : i1
        %or3A_619 = arith.ori %or3A_618, %eq3A_179 : i1
        %add3A_620 = arith.constant 1 : i32
        %add3A_621 = arith.addi %scan3A_172, %add3A_620 : i32
        %select_n3A_622 = arith.select %or3A_619, %add3A_621, %scan3A_172 : i32
        %add3A_623 = arith.constant 1 : i32
        %add3A_624 = arith.addi %scan3A_175, %add3A_623 : i32
        %select_n3A_625 = arith.constant true
        %select_n3A_626 = arith.select %select_n3A_625, %add3A_624, %scan3A_175 : i32
        %eq3A_627 = arith.constant 125 : i32
        %eq3A_628 = arith.cmpi eq, %select_n3A_626, %eq3A_627 : i32
        %select_n3A_629 = arith.constant 0 : i32
        %select_n3A_630 = arith.select %eq3A_628, %select_n3A_629, %select_n3A_626 : i32
        scf.yield %select_n3A_220, %select_n3A_565, %select_n3A_286, %select_n3A_622, %select_n3A_466, %select_n3A_556, %select_n3A_630 : i32, i32, i32, i32, i32, i32, i32
      }
      %scan3A_114 = arith.constant 125 : i32
      %sub3A_115 = arith.constant 1 : i32
      %sub3A_116 = arith.subi %scan3A_113#6, %sub3A_115 : i32
      %select_n3A_117 = arith.constant true
      %select_n3A_118 = arith.select %select_n3A_117, %sub3A_116, %scan3A_113#6 : i32
      %eq3A_119 = arith.constant -1 : i32
      %eq3A_120 = arith.cmpi eq, %select_n3A_118, %eq3A_119 : i32
      %select_n3A_121 = arith.constant 124 : i32
      %select_n3A_122 = arith.select %eq3A_120, %select_n3A_121, %select_n3A_118 : i32
      %add3A_123 = arith.addi %select_n3A_122, %mul3A_6 : i32
      %sub3A_124 = arith.constant 1 : i32
      %sub3A_125 = arith.subi %select_n3A_122, %sub3A_124 : i32
      %select_n3A_126 = arith.constant true
      %select_n3A_127 = arith.select %select_n3A_126, %sub3A_125, %select_n3A_122 : i32
      %eq3A_128 = arith.constant -1 : i32
      %eq3A_129 = arith.cmpi eq, %select_n3A_127, %eq3A_128 : i32
      %select_n3A_130 = arith.constant 124 : i32
      %select_n3A_131 = arith.select %eq3A_129, %select_n3A_130, %select_n3A_127 : i32
      %add3A_132 = arith.addi %select_n3A_131, %mul3A_6 : i32
      %add3A_133 = arith.constant 1 : i32
      %add3A_134 = arith.addi %select_n3A_122, %add3A_133 : i32
      %select_n3A_135 = arith.constant true
      %select_n3A_136 = arith.select %select_n3A_135, %add3A_134, %select_n3A_122 : i32
      %eq3A_137 = arith.constant 125 : i32
      %eq3A_138 = arith.cmpi eq, %select_n3A_136, %eq3A_137 : i32
      %select_n3A_139 = arith.constant 0 : i32
      %select_n3A_140 = arith.select %eq3A_138, %select_n3A_139, %select_n3A_136 : i32
      %add3A_141 = arith.addi %select_n3A_140, %mul3A_6 : i32
      %add3A_142 = arith.constant 1 : i32
      %add3A_143 = arith.addi %select_n3A_140, %add3A_142 : i32
      %select_n3A_144 = arith.constant true
      %select_n3A_145 = arith.select %select_n3A_144, %add3A_143, %select_n3A_140 : i32
      %eq3A_146 = arith.constant 125 : i32
      %eq3A_147 = arith.cmpi eq, %select_n3A_145, %eq3A_146 : i32
      %select_n3A_148 = arith.constant 0 : i32
      %select_n3A_149 = arith.select %eq3A_147, %select_n3A_148, %select_n3A_145 : i32
      %add3A_150 = arith.addi %select_n3A_149, %mul3A_6 : i32
      "tpu.trace_start"() <{level = 10 : i32, message = "ep_finalize"}> : () -> ()
      %rem3A_151 = arith.constant 2 : i32
      %rem3A_152 = arith.remui %scan3A_113#5, %rem3A_151 : i32
      %mul3A_153 = arith.constant 128 : i32
      %mul3A_154 = arith.muli %mul3A_153, %add3A_123 : i32
      %dma_wait3A = arith.constant 0 : i32
      %dma_wait3A_155 = arith.constant 0 : i32
      %dma_wait3A_156 = tpu.memref_slice %run_scoped3A_10[%rem3A_152, %dma_wait3A, %dma_wait3A_155] : memref<2x128x128xf32, #tpu.memory_space<vmem>> -> memref<1x128x128xf32, #tpu.memory_space<vmem>>
      %dma_wait3A_157 = tpu.memref_squeeze %dma_wait3A_156 : memref<1x128x128xf32, #tpu.memory_space<vmem>> -> memref<128x128xf32, #tpu.memory_space<vmem>>
      %dma_wait3A_158 = arith.constant 0 : i32
      %dma_wait3A_159 = tpu.memref_slice %arg4[%mul3A_154, %dma_wait3A_158] : memref<512000x128xf32, #tpu.memory_space<hbm>> -> memref<128x128xf32, #tpu.memory_space<hbm>>
      %dma_wait3A_160 = tpu.memref_slice %run_scoped3A_11[%rem3A_152] : memref<2x!tpu.dma_semaphore, #tpu.memory_space<semaphore_mem>> -> memref<1x!tpu.dma_semaphore, #tpu.memory_space<semaphore_mem>>
      %dma_wait3A_161 = tpu.memref_squeeze %dma_wait3A_160 : memref<1x!tpu.dma_semaphore, #tpu.memory_space<semaphore_mem>> -> memref<!tpu.dma_semaphore, #tpu.memory_space<semaphore_mem>>
      %dma_wait3A_162 = arith.constant 0 : i32
      %dma_wait3A_163 = tpu.memref_slice %arg4[%mul3A_154, %dma_wait3A_162] : memref<512000x128xf32, #tpu.memory_space<hbm>> -> memref<128x128xf32, #tpu.memory_space<hbm>>
      %dma_wait3A_164 = arith.constant 0 : i32
      %dma_wait3A_165 = arith.constant 0 : i32
      %dma_wait3A_166 = tpu.memref_slice %run_scoped3A_10[%rem3A_152, %dma_wait3A_164, %dma_wait3A_165] : memref<2x128x128xf32, #tpu.memory_space<vmem>> -> memref<1x128x128xf32, #tpu.memory_space<vmem>>
      %dma_wait3A_167 = tpu.memref_squeeze %dma_wait3A_166 : memref<1x128x128xf32, #tpu.memory_space<vmem>> -> memref<128x128xf32, #tpu.memory_space<vmem>>
      tpu.wait_dma2 semaphore(%dma_wait3A_161 : memref<!tpu.dma_semaphore, #tpu.memory_space<semaphore_mem>>) src(%dma_wait3A_167 : memref<128x128xf32, #tpu.memory_space<vmem>>) dst(%dma_wait3A_163 : memref<128x128xf32, #tpu.memory_space<hbm>>)
      "tpu.trace_stop"() : () -> ()
      tpu.yield
    }) : () -> ()
    return
  }
}

</mosaic_0001>

<sc_bundles>
// kernel: kernel.3.cloned.1.call-start
scs
__scs_entry_jumppad:
0x0: {  	(pc) =	sbr.rel $0x88, $3  }
0x1: {  	(tag) =	ssettag $0x0;
	lr =	simm.s32 $0x1  }
0x2: {  	[smem:$0x3F9F] =	sst lr;
	_ =	strace $0xD0000000  }
0x3: {  	_ = 	snop  }
0x4: {  	_ = 	snop  }
0x5: {  	_ = 	snop  }
0x6: {  	_ = 	snop  }
0x7: {  	_ = 	snop  }
__scs_overlays_trampoline_lowered:
0x8: {  	[smem:$0x3FAE] =	sst s0  }
0x9: {  	[smem:$0x3FAF] =	sst s1  }
0xa: {  	[smem:$0x3FB0] =	sst s2  }
0xb: {  	[smem:$0x3FB1] =	sst s3  }
0xc: {  	[smem:$0x3FB2] =	sst s4  }
0xd: {  	[smem:$0x3FB3] =	sst s5  }
0xe: {  	[smem:$0x3FB4] =	sst s6  }
0xf: {  	[smem:$0x3FB5] =	sst s7  }
0x10: {  	[smem:$0x3FB6] =	sst s8  }
0x11: {  	[smem:$0x3FB7] =	sst s9;
	s0 =	simm.s32 @!p0 $0x0  }
0x12: {  	s1 =	sld [smem:$0x3F9D];
	s0 =	simm.s32 @p0 $0x1  }
0x13: {  	[smem:$0x3FB8] =	sst s0;
	s0 =	simm.s32 @!p1 $0x0  }
0x14: {  	s2 =	sld [smem:$0x3F9C];
	s0 =	simm.s32 @p1 $0x1  }
0x15: {  	[smem:$0x3FB9] =	sst s0;
	s0 =	simm.s32 @!p2 $0x0  }
0x16: {  	s3 =	sld [smem:$0x3FDB];
	s0 =	simm.s32 @p2 $0x1  }
0x17: {  	s4 =	simm.s32 $0x1BF5;
	[smem:$0x3FBB] =	sst s0  }
0x18: {  	s0 =	sld [smem:$0x3F9E];
	_ =	swait.ge [sflag:s4], $0x0  }
0x19: {  	s7 =	sld [smem:$0x3F9F]  }
0x1a: {  	s8 =	sadd.s32 $0xFFFFE003, lr  }
0x1b: {  	s9 =	sadd.s32 $0xFFFFFEF7, lr;
	s5 =	simm.s32 $0xFFFFFFFF;
	p2 =	slt.u32 s8, $0xFFFFF086  }
0x1c: {  	p1 =	slt.u32 s9, $0xF7A;
	s5 =	simm.s32 @!p2 $0x0  }
0x1d: {  	s5 =	simm.s32 @p1 $0x1;
	p0 =	seq.s32 s7, s2  }
0x1e: {  	s7 =	smul.u32 @!p0 $0xF7A, s2;
	p2 =	seq.s32 @!p0 s5, $0x0  }
0x1f: {  	s9 =	smul.u32 $0xF7A, s1;
	s8 =	simm.s32 @!p0 $0x1BF5;
	p2 =	por !p2, p0  }
0x20: {  	[sflag:s8] =	ssyncset.s32 @!p0 $0xFFFFF086;
	s6 =	sadd.s32 @!p0 s3, s7;
	s7 =	simm.s32 @!p0 $0x108  }
0x21: {  	s3 =	sadd.s32 s3, s9;
	s6 =	sadd.s32 @!p0 $0x88, s6;
	s7 =	simm.s32 @p2 $0x1082  }
0x22: {  	[simem:s7], [sflag:s8] =	dma.local @!p0 [hbm:s6], $0xF7A  }
0x23: {  	s9 =	sor.u32 $0xD0000000, s2;
	s6 =	simm.s32 $0x108;
	_ =	swait.ge @!p0 [sflag:s8], $0x0  }
0x24: {  	s3 =	sadd.s32 $0x88, s3;
	s6 =	simm.s32 @!p1 $0x1082;
	[sflag:s4] =	ssyncset.s32 $0xFFFFF086  }
0x25: {  	[simem:s6], [sflag:s4] =	dma.local [hbm:s3], $0xF7A  }
0x26: {  	[smem:$0x3F9F] =	sst s1;
	(tag) =	ssettag s2;
	_ =	strace s9  }
0x27: {  	s1 =	sld [smem:$0x3FAF]  }
0x28: {  	s2 =	sld [smem:$0x3FB0]  }
0x29: {  	s4 =	sld [smem:$0x3FB2]  }
0x2a: {  	p0 =	seq.s32 s5, $0x0;
	s5 =	sld [smem:$0x3FB3]  }
0x2b: {  	s6 =	sld [smem:$0x3FB4]  }
0x2c: {  	s7 =	sld [smem:$0x3FB5]  }
0x2d: {  	s3 =	simm.s32 $0x108;
	s8 =	sld [smem:$0x3FB6]  }
0x2e: {  	s3 =	simm.s32 @!p0 $0x1082;
	s9 =	sld [smem:$0x3FB7]  }
0x2f: {  	lr =	sadd.s32 s0, s3;
	s0 =	sld [smem:$0x3FAE]  }
0x30: {  	s3 =	sld [smem:$0x3FB1]  }
0x31: {  	[smem:$0x3FBA] =	sst s10  }
0x32: {  	s10 =	sld [smem:$0x3FB8];
	_ =	sdelay $0x3  }
0x33: {  	p0 =	seq.s32 s10, $0x1;
	s10 =	sld [smem:$0x3FBA];
	_ =	sdelay $0x3  }
0x34: {  	[smem:$0x3FBA] =	sst s10  }
0x35: {  	s10 =	sld [smem:$0x3FB9];
	_ =	sdelay $0x3  }
0x36: {  	p1 =	seq.s32 s10, $0x1;
	s10 =	sld [smem:$0x3FBA];
	_ =	sdelay $0x3  }
0x37: {  	[smem:$0x3FBA] =	sst s10  }
0x38: {  	s10 =	sld [smem:$0x3FBB]  }
0x39: {  	_ = 	snop;
	(pc) =	sbr.ind lr, $3  }
0x3a: {  	_ = 	snop  }
0x3b: {  	_ = 	snop  }
0x3c: {  	p2 =	seq.s32 s10, $0x1;
	s10 =	sld [smem:$0x3FBA]  }
0x3d: {  	_ =	shalt  }
0x3e: {  	_ =	shalt  }
0x3f: {  	_ =	shalt  }
0x40: {  	_ =	shalt  }
0x41: {  	_ =	shalt  }
0x42: {  	_ =	shalt  }
0x43: {  	_ =	shalt  }
0x44: {  	_ =	shalt  }
0x45: {  	_ =	shalt  }
0x46: {  	_ =	shalt  }
0x47: {  	_ =	shalt  }
0x48: {  	_ =	shalt  }
0x49: {  	_ =	shalt  }
0x4a: {  	_ =	shalt  }
0x4b: {  	_ =	shalt  }
0x4c: {  	_ =	shalt  }
0x4d: {  	_ =	shalt  }
0x4e: {  	_ =	shalt  }
0x4f: {  	_ =	shalt  }
0x50: {  	_ =	shalt  }
0x51: {  	_ =	shalt  }
0x52: {  	_ =	shalt  }
0x53: {  	_ =	shalt  }
0x54: {  	_ =	shalt  }
0x55: {  	_ =	shalt  }
0x56: {  	_ =	shalt  }
0x57: {  	_ =	shalt  }
0x58: {  	_ =	shalt  }
0x59: {  	_ =	shalt  }
0x5a: {  	_ =	shalt  }
0x5b: {  	_ =	shalt  }
0x5c: {  	_ =	shalt  }
0x5d: {  	_ =	shalt  }
0x5e: {  	_ =	shalt  }
0x5f: {  	_ =	shalt  }
0x60: {  	_ =	shalt  }
0x61: {  	_ =	shalt  }
0x62: {  	_ =	shalt  }
0x63: {  	_ =	shalt  }
0x64: {  	_ =	shalt  }
0x65: {  	_ =	shalt  }
0x66: {  	_ =	shalt  }
0x67: {  	_ =	shalt  }
0x68: {  	_ =	shalt  }
0x69: {  	_ =	shalt  }
0x6a: {  	_ =	shalt  }
0x6b: {  	_ =	shalt  }
0x6c: {  	_ =	shalt  }
0x6d: {  	_ =	shalt  }
0x6e: {  	_ =	shalt  }
0x6f: {  	_ =	shalt  }
0x70: {  	_ =	shalt  }
0x71: {  	_ =	shalt  }
0x72: {  	_ =	shalt  }
0x73: {  	_ =	shalt  }
0x74: {  	_ =	shalt  }
0x75: {  	_ =	shalt  }
0x76: {  	_ =	shalt  }
0x77: {  	_ =	shalt  }
0x78: {  	_ =	shalt  }
0x79: {  	_ =	shalt  }
0x7a: {  	_ =	shalt  }
0x7b: {  	_ =	shalt  }
0x7c: {  	_ =	shalt  }
0x7d: {  	_ =	shalt  }
0x7e: {  	_ =	shalt  }
0x7f: {  	_ =	shalt  }
0x80: {  	_ =	shalt  }
0x81: {  	_ =	shalt  }
0x82: {  	_ =	shalt  }
0x83: {  	_ =	shalt  }
0x84: {  	_ =	shalt  }
0x85: {  	_ =	shalt  }
0x86: {  	_ =	shalt  }
0x87: {  	_ =	shalt  }
.Lfunc_end0:
.L_simem_size_0:
called_computation_lowered:
.L_overlay_start_0:
0x88: {  	s2 =	sld [smem:$0x3FD9]  }
0x89: {  	s3 =	sld [smem:$0x3FFE];
	_ =	sdelay $0x1  }
0x8a: {  	s1 =	srdreg.scid  }
0x8b: {  	s0 =	sand.u32 $0x1, s1  }
0x8c: {  	s18 =	sshll.u32 s0, $0xA;
	s2 =	sadd.s32 s3, s2  }
0x8d: {  	s2 =	sadd.s32 s2, s18  }
0x8e: {  	[smem:$0x3FC6] =	sst s2  }
0x8f: {  	_ = 	snop  }
0x90: {  	s2 =	sld [smem:$0x3FC9]  }
0x91: {  	s19 =	sld [smem:$0x3FC8]  }
0x92: {  	s4 =	sld [smem:$0x3FD0];
	(tm) =	ssettm $0x1  }
0x93: {  	s5 =	sld [smem:$0x3FFB];
	_ =	sdelay $0x3  }
0x94: {  	_ =	strace s5  }
0x95: {  	s5 =	sld [smem:$0x3FFC];
	_ =	sdelay $0x3  }
0x96: {  	_ =	strace s5  }
0x97: {  	s5 =	sld [smem:$0x3FFD];
	_ =	sdelay $0x3  }
0x98: {  	_ =	strace s5  }
0x99: {  	_ =	strace $0x8FFFFFFF  }
0x9a: {  	s20 =	sld [smem:$0x3FDB];
	_ =	sdelay $0x1  }
0x9b: {  	s6 =	simm.s32 $_scs_section_size  }
0x9c: {  	s7 =	simm.s32 $_size__tile_overlayer_lowered;
	s8 =	simm.s32 $_tile_overlayer_lowered  }
0x9d: {  	s23 =	simm.s32 $0x1BFF;
	s22 =	sshll.u32 s8, $0x1;
	s5 =	sadd.s32 s6, s20  }
0x9e: {  	s9 =	simm.s32 $0x0;
	s21 =	sshll.u32 s7, $0x1;
	s7 =	sadd.s32 s22, s5  }
0x9f: {  	[timem:s9], [sflag:s23] =	dma.local [hbm:s7], s21  }
0xa0: {  	_ =	swait.ge [sflag:s23], s21  }
0xa1: {  	s6 =	ssub.s32 $0x0, s21;
	[sflag:s23] =	ssyncset.done $0x0  }
0xa2: {  	[sflag:s23] =	ssyncadd.s32 s6;
	_ =	sdelay $0x1  }
0xa3: {  	s24 =	simm.s32 $0x1B8B  }
0xa4: {  	_ =	swait.ge [sflag:s24], $0x1  }
0xa5: {  	[sflag:s24] =	ssyncset.done $0x0  }
0xa6: {  	s25 =	simm.s32 $0x1B8E;
	[sflag:s24] =	ssyncadd.s32 $0xFFFFFFFF  }
0xa7: {  	s26 =	simm.s32 $execute0_lowered;
	[smem:$0x3FD2] =	sst s25  }
0xa8: {  	s6 =	sshll.u32 s26, $0x1;
	_ =	strace $0x80000046;
	[dreg:$0x1] =	wrdreg $0xFFFFFFFF  }
0xa9: {  	s28 =	simm.s32 $_size_execute0_lowered;
	s5 =	sadd.s32 s5, s6;
	[dreg:$0x0] =	wrdreg $0x0  }
0xaa: {  	s6 =	sshll.u32 s28, $0x1;
	[dreg:$0x2] =	wrdreg s5  }
0xab: {  	[dreg:$0x3] =	wrdreg s6  }
0xac: {  	[dreg:$0x4] =	wrdreg $0xC0  }
0xad: {  	_ =	task [dreg:s9], $0x5FFFF  }
0xae: {  	[dreg:$0x1] =	wrdreg $0xFFFFFFFF  }
0xaf: {  	[dreg:$0x0] =	wrdreg $0x60  }
0xb0: {  	[dreg:$0x2] =	wrdreg s2  }
0xb1: {  	[dreg:$0x3] =	wrdreg s19  }
0xb2: {  	[dreg:$0x4] =	wrdreg s4  }
0xb3: {  	[dreg:$0x5] =	wrdreg $0x9  }
0xb4: {  	_ =	task.clear_ibuf [dreg:s9], $0x6FFFF;
	_ =	strace $0x90000046  }
0xb5: {  	s29 =	simm.s32 $0x9;
	_ =	strace $0x80000051  }
0xb6: {  	_ =	swait.ge [sflag:s29], $0x1  }
0xb7: {  	[sflag:s29] =	ssyncadd.s32 $0xFFFFFFFF  }
0xb8: {  	_ =	strace $0x90000051  }
0xb9: {  	_ =	sfence  }
0xba: {  	s30 =	sld [smem:$0x0];
	_ =	sdelay $0x2  }
0xbb: {  	s31 =	sshll.u32 s1, $0xD;
	s1 =	sshrl.u32 s1, $0x2  }
0xbc: {  	s3 =	sand.u32 $0x4000, s31;
	s1 =	sadd.s32 s1, s30  }
0xbd: {  	s0 =	sor.u32 s3, s0;
	s1 =	sshll.u32 s1, $0x11  }
0xbe: {  	s0 =	sor.u32 s1, s0  }
0xbf: {  	s0 =	sadd.s32 $0x8F2B, s0  }
0xc0: {  	[sflag:s0] =	ssyncadd.remote.s32 $0x1  }
0xc1: {  	_ =	sfence.sel $0xFFFF  }
0xc2: {  	[dreg:$0x0] =	wrdreg $0xFFFFFFFF;
	(pc) =	sbr.abs _section_cstart, $3  }
0xc3: {  	[dreg:$0x1] =	wrdreg $0xFFFFFFFF  }
0xc4: {  	_ =	task.clear_ibuf [dreg:s9], $0x2FFFF;
	_ =	strace $0x9FFFFFFF  }
0xc5: {  	(tm) =	ssettm $0x7FFFFFFF  }
tec
execute0_lowered:
.L_overlay_start_1:
0x0: {  	(tag) =	ssettag $0x1  }
0x1: {  	s1 =	srdreg.scid  }
0x2: {  	s0 =	rddreg [dreg:$0x0];
	s6 =	sand.u32 $0x1, s1  }
0x3: {  	s3 =	rddreg [dreg:$0x1];
	s2 =	stileid.u32;
	s5 =	sshll.u32 s6, $0x4  }
0x4: {  	s4 =	rddreg [dreg:$0x2];
	s11 =	simm.s32 $0x0;
	s7 =	sor.u32 s2, s5  }
0x5: {  	s1 =	rddreg [dreg:$0x3];
	s6 =	ssub.s32 $0x2, s6;
	s8 =	smul.u32 $0xFA, s7  }
0x6: {  	s5 =	simm.s32 $0x0;
	s9 =	sshrl.u32 s6, $0x1;
	s10 =	smul.u32 $0x3E800, s7  }
0x7: {  	[smem:$0x7FF] =	sst s5;
	s9 =	ssub.s32 s6, s9;
	s6 =	smul.u32 $0x7D, s7  }
0x8: {  	_ =	strace $0x80000047;
	s9 =	smax.u32 s9, $0x1;
	s8 =	sand.u32 $0x1FF0, s8  }
0x9: {  	s7 =	sadd.s32 s0, s10;
	s10 =	simm.s32 $0x8000;
	s8 =	sadd.s32 s3, s8  }
.LBB2_1:
0xa: {  	_ =	strace $0x80000048  }
0xb: {  	s13 =	simm.s32 $0x0;
	s12 =	simm.s32 $0x0;
	s14 =	simm.s32 $0x0  }
0xc: {  	[tilespmem:s5], [sflag:$0x1] =	stream.linear.gather [hbm4b:s7+s5], $0x4000, $0x200038;
	[tilespmem:$0x10100] =	vst v63  }
0xd: {  	s15 =	simm.s32 $0x0;
	s16 =	simm.s32 $0x1;
	s17 =	simm.s32 $0x0  }
0xe: {  	[tilespmem:s10], [sflag:$0x3] =	stream.linear.gather [hbm4b:s8+s5], $0x80, $0x200038;
	[tilespmem:$0x10100] =	vst v63  }
0xf: {  	s18 =	simm.s32 $0x1;
	s19 =	simm.s32 $0x0;
	_ =	strace $0x90000048  }
.LBB2_2:
0x10: {  	s21 =	smov.u32 s13;
	s13 =	sadd.s32 $0x1, s13  }
0x11: {  	p0 =	seq.s32 s13, $0x7D;
	s20 =	sadd.s32 s6, s21  }
0x12: {  	p2 =	sne.s32 s19, $0x7C;
	s13 =	simm.s32 @p0 $0x0;
	s30 =	sshra.s32 s20, $0x1F  }
0x13: {  	s31 =	sand.u32 $0x7, s20;
	p5 =	slt.s32 s20, $0x1;
	p0 =	sne.s32 s21, s13  }
0x14: {  	s22 =	sadd.s32 s6, s13;
	p4 =	sne.s32 s31, $0x0;
	p1 =	por !p2, !p0  }
0x15: {  	p6 =	slt.s32 s22, $0x1;
	p3 =	por !p1, !p1;
	p1 =	por !p5, !p4  }
0x16: {  	_ =	strace @p3 $0x80000049;
	s23 =	sand.u32 @p3 $0x1, s18;
	s24 =	sshll.u32 @p3 s22, $0xB  }
0x17: {  	s26 =	simm.s32 @p3 $0x0;
	p1 =	por !p1, !p1;
	s24 =	sand.u32 @p3 $0x1FFFF800, s24  }
0x18: {  	s25 =	sshll.u32 @p3 s23, $0xE;
	s23 =	sadd.s32 @p3 $0x1, s23;
	s24 =	sadd.s32 @p3 s0, s24  }
0x19: {  	[tilespmem:s25], [sflag:s23] =	stream.linear.gather @p3 [hbm4b:s24+s26], $0x4000, $0x200038;
	[tilespmem:$0x10100] =	vst v63  }
0x1a: {  	s23 =	sshrl.u32 s30, $0x1D;
	s25 =	sand.u32 $0x7, s22;
	s26 =	sshra.s32 s22, $0x1F  }
0x1b: {  	s24 =	simm.s32 $0x1;
	s23 =	sadd.s32 s23, s20;
	p5 =	sne.s32 s25, $0x0  }
0x1c: {  	s25 =	sshrl.u32 s26, $0x1D;
	s24 =	simm.s32 @!p1 $0x0;
	p4 =	por !p6, !p5  }
0x1d: {  	s22 =	sadd.s32 s25, s22;
	s25 =	simm.s32 $0x1;
	p4 =	por !p4, !p4  }
0x1e: {  	s23 =	sshra.s32 s23, $0x3;
	s22 =	sshra.s32 s22, $0x3;
	s25 =	simm.s32 @!p4 $0x0  }
0x1f: {  	s23 =	ssub.s32 s23, s24;
	s22 =	ssub.s32 s22, s25  }
0x20: {  	p1 =	sne.s32 s23, s22  }
0x21: {  	p2 =	por !p2, !p1  }
0x22: {  	s31 =	sand.u32 $0x1, s17;
	_ =	strace @p3 $0x90000049;
	p4 =	por !p2, !p2  }
0x23: {  	s24 =	sadd.s32 $0xFFFFFFFF, s21;
	p2 =	seq.s32 s21, $0x0;
	s21 =	sand.u32 @p4 $0x1, s16  }
0x24: {  	_ =	strace @p4 $0x8000004A;
	s22 =	sshll.u32 @p4 s22, $0x4;
	s24 =	simm.s32 @p2 $0x7C  }
0x25: {  	s26 =	simm.s32 @p4 $0x0;
	s25 =	sshll.u32 @p4 s21, $0x7;
	s22 =	sand.u32 @p4 $0x1FFFFFF0, s22  }
0x26: {  	s21 =	sadd.s32 @p4 $0x3, s21;
	s29 =	sadd.s32 s6, s24;
	s25 =	sor.u32 @p4 $0x8000, s25  }
0x27: {  	s22 =	sadd.s32 @p4 s3, s22;
	s30 =	sand.u32 $0x7, s29;
	s24 =	sshra.s32 s29, $0x1F  }
0x28: {  	[tilespmem:s25], [sflag:s21] =	stream.linear.gather @p4 [hbm4b:s22+s26], $0x80, $0x200038;
	[tilespmem:$0x10100] =	vst v63  }
0x29: {  	p5 =	slt.s32 s29, $0x1;
	p6 =	sne.s32 s30, $0x0;
	s24 =	sshrl.u32 s24, $0x1D  }
0x2a: {  	s26 =	sadd.s32 $0x1, s31;
	_ =	strace @p4 $0x9000004A;
	p2 =	por !p5, !p6  }
0x2b: {  	s22 =	sadd.s32 s24, s29;
	s24 =	simm.s32 $0x1;
	p2 =	por !p2, !p2  }
0x2c: {  	_ =	strace $0x8000004B;
	s22 =	sshra.s32 s22, $0x3;
	s24 =	simm.s32 @!p2 $0x0  }
0x2d: {  	p2 =	seq.s32 s19, $0x0;
	_ =	swait.ge [sflag:s26], $0x4000;
	s22 =	ssub.s32 s22, s24  }
0x2e: {  	[sflag:s26] =	ssyncset.done $0x0;
	p5 =	seq.s32 @!p2 s23, s22  }
0x2f: {  	[sflag:s26] =	ssyncadd.s32 $0xFFFFC000;
	p5 =	por p2, !p5  }
0x30: {  	s21 =	sshll.u32 s31, $0xE;
	_ =	strace $0x9000004B;
	s22 =	sand.u32 @p5 $0x1, s15  }
0x31: {  	s21 =	sor.u32 $0x40, s21;
	_ =	strace @p5 $0x8000004C;
	s22 =	sadd.s32 @p5 $0x3, s22  }
0x32: {  	v0 =	vmov s21;
	_ =	swait.ge @p5 [sflag:s22], $0x80  }
0x33: {  	[sflag:s22] =	ssyncset.done @p5 $0x0  }
0x34: {  	[sflag:s22] =	ssyncadd.s32 @p5 $0xFFFFFF80  }
0x35: {  	s29 =	sshll.u32 s15, $0x7;
	_ =	strace @p5 $0x9000004C  }
0x36: {  	s25 =	simm.s32 $0x0;
	s22 =	sand.u32 $0x80, s29;
	_ =	strace $0x8000004D  }
0x37: {  	s21 =	sand.u32 $0x1, s14;
	s23 =	sor.u32 $0x8000, s22;
	v2 =	vld.idx.msk [tilespmem:v0+s25+$0xFFFFFFC0 ss:$0x1], $0xffff  }
0x38: {  	s30 =	sshll.u32 s21, $0xE;
	v3 =	vld [tilespmem:s23+$0x0]  }
0x39: {  	s31 =	sor.u32 $0x8170, s30  }
0x3a: {  	v1 =	vmov s31;
	_ =	sdelay $0x2  }
0x3b: {  	v2 =	vadd.f32 v3, v2;
	_ =	sdelay $0x1  }
0x3c: {  	[tilespmem:v1+s25+$0xFFFFFF90 ss:$0x1] =	vst.idx.msk $0xffff, v2  }
0x3d: {  	v2 =	vld.idx.msk [tilespmem:v0+s25+$0xFFFFFFD0 ss:$0x1], $0xffff  }
0x3e: {  	v3 =	vld [tilespmem:s22+$0x8010];
	_ =	sdelay $0x4  }
0x3f: {  	v2 =	vadd.f32 v3, v2;
	_ =	sdelay $0x1  }
0x40: {  	[tilespmem:v1+s25+$0xFFFFFFA0 ss:$0x1] =	vst.idx.msk $0xffff, v2  }
0x41: {  	v2 =	vld.idx.msk [tilespmem:v0+s25+$0xFFFFFFE0 ss:$0x1], $0xffff  }
0x42: {  	v3 =	vld [tilespmem:s22+$0x8020];
	_ =	sdelay $0x4  }
0x43: {  	v2 =	vadd.f32 v3, v2;
	_ =	sdelay $0x1  }
0x44: {  	[tilespmem:v1+s25+$0xFFFFFFB0 ss:$0x1] =	vst.idx.msk $0xffff, v2  }
0x45: {  	v2 =	vld.idx.msk [tilespmem:v0+s25+$0xFFFFFFF0 ss:$0x1], $0xffff  }
0x46: {  	v3 =	vld [tilespmem:s22+$0x8030];
	_ =	sdelay $0x4  }
0x47: {  	v2 =	vadd.f32 v3, v2;
	_ =	sdelay $0x1  }
0x48: {  	[tilespmem:v1+s25+$0xFFFFFFC0 ss:$0x1] =	vst.idx.msk $0xffff, v2  }
0x49: {  	v2 =	vld.idx.msk [tilespmem:v0+s25+$0x0 ss:$0x1], $0xffff  }
0x4a: {  	v3 =	vld [tilespmem:s22+$0x8040];
	_ =	sdelay $0x4  }
0x4b: {  	v2 =	vadd.f32 v3, v2;
	_ =	sdelay $0x1  }
0x4c: {  	[tilespmem:v1+s25+$0xFFFFFFD0 ss:$0x1] =	vst.idx.msk $0xffff, v2  }
0x4d: {  	v2 =	vld.idx.msk [tilespmem:v0+s25+$0x10 ss:$0x1], $0xffff  }
0x4e: {  	v3 =	vld [tilespmem:s22+$0x8050];
	_ =	sdelay $0x4  }
0x4f: {  	v2 =	vadd.f32 v3, v2;
	_ =	sdelay $0x1  }
0x50: {  	[tilespmem:v1+s25+$0xFFFFFFE0 ss:$0x1] =	vst.idx.msk $0xffff, v2  }
0x51: {  	v2 =	vld.idx.msk [tilespmem:v0+s25+$0x20 ss:$0x1], $0xffff  }
0x52: {  	v3 =	vld [tilespmem:s22+$0x8060];
	_ =	sdelay $0x4  }
0x53: {  	v2 =	vadd.f32 v3, v2;
	_ =	sdelay $0x1  }
0x54: {  	[tilespmem:v1+s25+$0xFFFFFFF0 ss:$0x1] =	vst.idx.msk $0xffff, v2  }
0x55: {  	v2 =	vld.idx.msk [tilespmem:v0+s25+$0x30 ss:$0x1], $0xffff  }
0x56: {  	v3 =	vld [tilespmem:s22+$0x8070];
	_ =	sdelay $0x1  }
0x57: {  	s28 =	simm.s32 $0x1  }
0x58: {  	s28 =	simm.s32 @!p4 $0x0;
	s26 =	simm.s32 $0x1  }
0x59: {  	s16 =	sadd.s32 s28, s16;
	s28 =	simm.s32 $0x400;
	s26 =	simm.s32 @!p3 $0x0  }
0x5a: {  	s24 =	sor.u32 $0x8100, s30;
	s18 =	sadd.s32 s26, s18;
	s26 =	simm.s32 $0x200;
	v2 =	vadd.f32 v3, v2  }
.LBB2_3:
0x5b: {  	p3 =	sne.s32 s28, $0xFE00  }
0x5c: {  	[tilespmem:v1+s25+$0x0 ss:$0x1] =	vst.idx.msk $0xffff, v2;
	s25 =	sshra.s32 s26, $0x2;
	s26 =	smov.u32 s28;
	s28 =	sadd.s32 $0x200, s28  }
0x5d: {  	v2 =	vld.idx.msk [tilespmem:v0+s25+$0xFFFFFFC0 ss:$0x1], $0xffff  }
0x5e: {  	v3 =	vld [tilespmem:s23+$0x0];
	_ =	sdelay $0x4  }
0x5f: {  	v2 =	vadd.f32 v3, v2;
	_ =	sdelay $0x1  }
0x60: {  	[tilespmem:v1+s25+$0xFFFFFF90 ss:$0x1] =	vst.idx.msk $0xffff, v2  }
0x61: {  	v2 =	vld.idx.msk [tilespmem:v0+s25+$0xFFFFFFD0 ss:$0x1], $0xffff  }
0x62: {  	v3 =	vld [tilespmem:s22+$0x8010];
	_ =	sdelay $0x4  }
0x63: {  	v2 =	vadd.f32 v3, v2;
	_ =	sdelay $0x1  }
0x64: {  	[tilespmem:v1+s25+$0xFFFFFFA0 ss:$0x1] =	vst.idx.msk $0xffff, v2  }
0x65: {  	v2 =	vld.idx.msk [tilespmem:v0+s25+$0xFFFFFFE0 ss:$0x1], $0xffff  }
0x66: {  	v3 =	vld [tilespmem:s22+$0x8020];
	_ =	sdelay $0x4  }
0x67: {  	v2 =	vadd.f32 v3, v2;
	_ =	sdelay $0x1  }
0x68: {  	[tilespmem:v1+s25+$0xFFFFFFB0 ss:$0x1] =	vst.idx.msk $0xffff, v2  }
0x69: {  	v2 =	vld.idx.msk [tilespmem:v0+s25+$0xFFFFFFF0 ss:$0x1], $0xffff  }
0x6a: {  	v3 =	vld [tilespmem:s22+$0x8030];
	_ =	sdelay $0x4  }
0x6b: {  	v2 =	vadd.f32 v3, v2;
	_ =	sdelay $0x1  }
0x6c: {  	[tilespmem:v1+s25+$0xFFFFFFC0 ss:$0x1] =	vst.idx.msk $0xffff, v2  }
0x6d: {  	v2 =	vld.idx.msk [tilespmem:v0+s25+$0x0 ss:$0x1], $0xffff  }
0x6e: {  	v3 =	vld [tilespmem:s22+$0x8040];
	_ =	sdelay $0x4  }
0x6f: {  	v2 =	vadd.f32 v3, v2;
	_ =	sdelay $0x1  }
0x70: {  	[tilespmem:v1+s25+$0xFFFFFFD0 ss:$0x1] =	vst.idx.msk $0xffff, v2  }
0x71: {  	v2 =	vld.idx.msk [tilespmem:v0+s25+$0x10 ss:$0x1], $0xffff  }
0x72: {  	v3 =	vld [tilespmem:s22+$0x8050];
	_ =	sdelay $0x4  }
0x73: {  	v2 =	vadd.f32 v3, v2;
	_ =	sdelay $0x1  }
0x74: {  	[tilespmem:v1+s25+$0xFFFFFFE0 ss:$0x1] =	vst.idx.msk $0xffff, v2  }
0x75: {  	v2 =	vld.idx.msk [tilespmem:v0+s25+$0x20 ss:$0x1], $0xffff  }
0x76: {  	v3 =	vld [tilespmem:s22+$0x8060];
	_ =	sdelay $0x4  }
0x77: {  	v2 =	vadd.f32 v3, v2;
	_ =	sdelay $0x1  }
0x78: {  	[tilespmem:v1+s25+$0xFFFFFFF0 ss:$0x1] =	vst.idx.msk $0xffff, v2  }
0x79: {  	v2 =	vld.idx.msk [tilespmem:v0+s25+$0x30 ss:$0x1], $0xffff  }
0x7a: {  	v3 =	vld [tilespmem:s22+$0x8070]  }
.Ltmp0:
0x7b: {  	(pc) =	sbr.rel @p3 .LBB2_3-.Ltmp0, $2  }
0x7c: {  	_ =	sdelay $0x2  }
0x7d: {  	v2 =	vadd.f32 v3, v2  }
0x7e: {  	_ =	sdelay $0x3  }
0x7f: {  	s26 =	sshra.s32 s26, $0x2;
	[tilespmem:v1+s25+$0x0 ss:$0x1] =	vst.idx.msk $0xffff, v2  }
0x80: {  	v2 =	vld.idx.msk [tilespmem:v0+s26+$0xFFFFFFC0 ss:$0x1], $0xffff  }
0x81: {  	v3 =	vld [tilespmem:s23+$0x0];
	_ =	sdelay $0x4  }
0x82: {  	v2 =	vadd.f32 v3, v2;
	_ =	sdelay $0x1  }
0x83: {  	[tilespmem:v1+s26+$0xFFFFFF90 ss:$0x1] =	vst.idx.msk $0xffff, v2  }
0x84: {  	v2 =	vld.idx.msk [tilespmem:v0+s26+$0xFFFFFFD0 ss:$0x1], $0xffff  }
0x85: {  	v57 =	vld [tilespmem:s22+$0x8010];
	_ =	sdelay $0x4  }
0x86: {  	v2 =	vadd.f32 v57, v2;
	_ =	sdelay $0x1  }
0x87: {  	[tilespmem:v1+s26+$0xFFFFFFA0 ss:$0x1] =	vst.idx.msk $0xffff, v2  }
0x88: {  	v2 =	vld.idx.msk [tilespmem:v0+s26+$0xFFFFFFE0 ss:$0x1], $0xffff  }
0x89: {  	v58 =	vld [tilespmem:s22+$0x8020];
	_ =	sdelay $0x4  }
0x8a: {  	v2 =	vadd.f32 v58, v2;
	_ =	sdelay $0x1  }
0x8b: {  	[tilespmem:v1+s26+$0xFFFFFFB0 ss:$0x1] =	vst.idx.msk $0xffff, v2  }
0x8c: {  	v2 =	vld.idx.msk [tilespmem:v0+s26+$0xFFFFFFF0 ss:$0x1], $0xffff  }
0x8d: {  	v59 =	vld [tilespmem:s22+$0x8030];
	_ =	sdelay $0x4  }
0x8e: {  	v2 =	vadd.f32 v59, v2;
	_ =	sdelay $0x1  }
0x8f: {  	[tilespmem:v1+s26+$0xFFFFFFC0 ss:$0x1] =	vst.idx.msk $0xffff, v2  }
0x90: {  	v2 =	vld.idx.msk [tilespmem:v0+s26+$0x0 ss:$0x1], $0xffff  }
0x91: {  	v60 =	vld [tilespmem:s22+$0x8040];
	_ =	sdelay $0x4  }
0x92: {  	v2 =	vadd.f32 v60, v2;
	_ =	sdelay $0x1  }
0x93: {  	[tilespmem:v1+s26+$0xFFFFFFD0 ss:$0x1] =	vst.idx.msk $0xffff, v2  }
0x94: {  	v2 =	vld.idx.msk [tilespmem:v0+s26+$0x10 ss:$0x1], $0xffff  }
0x95: {  	v61 =	vld [tilespmem:s22+$0x8050];
	_ =	sdelay $0x4  }
0x96: {  	v2 =	vadd.f32 v61, v2;
	_ =	sdelay $0x1  }
0x97: {  	[tilespmem:v1+s26+$0xFFFFFFE0 ss:$0x1] =	vst.idx.msk $0xffff, v2  }
0x98: {  	v2 =	vld.idx.msk [tilespmem:v0+s26+$0x20 ss:$0x1], $0xffff  }
0x99: {  	v62 =	vld [tilespmem:s22+$0x8060];
	_ =	sdelay $0x4  }
0x9a: {  	v2 =	vadd.f32 v62, v2;
	_ =	sdelay $0x1  }
0x9b: {  	[tilespmem:v1+s26+$0xFFFFFFF0 ss:$0x1] =	vst.idx.msk $0xffff, v2  }
0x9c: {  	v63 =	vld.idx.msk [tilespmem:v0+s26+$0x30 ss:$0x1], $0xffff  }
0x9d: {  	v2 =	vld [tilespmem:s22+$0x8070];
	_ =	sdelay $0x4  }
0x9e: {  	p3 =	seq.s32 s19, $0x7C;
	v0 =	vadd.f32 v2, v63  }
0x9f: {  	p0 =	por p3, p0  }
0xa0: {  	s20 =	sshll.u32 @p0 s20, $0xB;
	[tilespmem:v1+s26+$0x0 ss:$0x1] =	vst.idx.msk $0xffff, v0  }
0xa1: {  	s21 =	sadd.s32 @p0 $0x5, s21;
	s20 =	sand.u32 @p0 $0x1FFFF800, s20;
	_ =	strace $0x9000004D  }
0xa2: {  	s20 =	sadd.s32 @p0 s4, s20;
	s22 =	simm.s32 @p0 $0x0;
	_ =	strace @p0 $0x8000004E  }
0xa3: {  	[hbm4b:s20+s22] =	stream.linear.scatter @p0 [tilespmem:s24], [sflag:s21], $0x4000, $0x200038;
	[tilespmem:$0x10100] =	vst v63  }
0xa4: {  	s20 =	sand.u32 @!p2 $0x1, s12;
	_ =	strace @p0 $0x9000004E  }
0xa5: {  	s20 =	sadd.s32 @!p2 $0x5, s20;
	_ =	strace @!p2 $0x8000004F  }
0xa6: {  	s21 =	simm.s32 $0x1;
	_ =	swait.ge @!p2 [sflag:s20], $0x4000  }
0xa7: {  	s21 =	simm.s32 @!p0 $0x0;
	p0 =	sne.s32 s19, $0x0;
	[sflag:s20] =	ssyncset.done @!p2 $0x0  }
0xa8: {  	s19 =	sadd.s32 $0x1, s19;
	[sflag:s20] =	ssyncadd.s32 @!p2 $0xFFFFC000;
	s20 =	simm.s32 $0x1  }
0xa9: {  	s20 =	simm.s32 @!p0 $0x0;
	p0 =	sne.s32 s19, $0x7D  }
.Ltmp1:
0xaa: {  	_ = 	snop;
	(pc) =	sbr.rel @p0 .LBB2_2-.Ltmp1, $4  }
0xab: {  	_ = 	snop  }
0xac: {  	p1 =	por p3, p1;
	s22 =	simm.s32 $0x1  }
0xad: {  	s22 =	simm.s32 @!p1 $0x0;
	s14 =	sadd.s32 s21, s14;
	s17 =	sadd.s32 s21, s17  }
0xae: {  	s15 =	sadd.s32 s22, s15;
	_ =	strace @!p2 $0x9000004F;
	s12 =	sadd.s32 s20, s12  }
0xaf: {  	s11 =	sadd.s32 $0x1, s11  }
0xb0: {  	s12 =	sand.u32 $0x1, s12;
	p0 =	sne.s32 s11, s9  }
.Ltmp2:
0xb1: {  	_ =	strace $0x80000050;
	s12 =	sadd.s32 $0x5, s12;
	(pc) =	sbr.rel @p0 .LBB2_1-.Ltmp2, $4  }
0xb2: {  	_ =	swait.ge [sflag:s12], $0x4000  }
0xb3: {  	[sflag:s12] =	ssyncset.done $0x0  }
0xb4: {  	[sflag:s12] =	ssyncadd.s32 $0xFFFFC000  }
0xb5: {  	_ =	strace $0x90000050  }
0xb6: {  	_ =	sfence.sel $0x180000  }
0xb7: {  	[bflag:$0x0] =	sbarrier.arrive $0xFFFF  }
0xb8: {  	p0 =	sne.s32 s2, $0x0;
	_ =	strace $0x90000047  }
0xb9: {  	s0 =	sadd.s32 @!p0 $0x100000, s1;
	[bflag:$0x2] =	sbarrier.arrive $0xFFFF  }
0xba: {  	[sflag:s0] =	ssyncadd.tile.s32 @!p0 $0x1;
	_ =	shalt  }
.Lfunc_end2:
_tile_overlayer_lowered:
.L_overlay_start_2:
0xbb: {  	(tag) =	ssettag $0x2  }
0xbc: {  	s0 =	rddreg [dreg:$0x0];
	s2 =	stileid.u32  }
0xbd: {  	s1 =	rddreg [dreg:$0x1];
	p0 =	sne.s32 s2, $0x0  }
0xbe: {  	s3 =	rddreg [dreg:$0x2];
	[bflag:$0x3] =	sbarrier.arrive $0xFFFF;
	s2 =	simm.s32 @!p0 $0x1C01  }
0xbf: {  	[timem:s3], [sflag:s2] =	dma.local @!p0 [hbm:s0], s1  }
0xc0: {  	s0 =	simm.s32 @!p0 $0x1  }
0xc1: {  	_ =	swait.ge @!p0 [sflag:s0], s1  }
0xc2: {  	s1 =	ssub.s32 @!p0 $0x0, s1;
	[sflag:s0] =	ssyncset.done @!p0 $0x0  }
0xc3: {  	[sflag:s0] =	ssyncadd.s32 @!p0 s1  }
0xc4: {  	[bflag:$0x3] =	sbarrier.arrive $0xFFFF  }
0xc5: {  	_ =	shalt  }

</sc_bundles>
